<compile_context>
chip_gen: v7x
topology: tpu7x:2x2x1
jax: 0.10.2.dev20260603
libtpu: 0.0.44.dev20260713+nightly
codegen_flags: <defaults>
</compile_context>

<pallas_src>
import functools

import jax
import jax.numpy as jnp
from jax import lax
from jax.experimental import pallas as pl
from jax.experimental.pallas import tpu as pltpu
from jax.experimental.pallas import tpu_sc as plsc

NC = 2
NS = 16
NW = NC * NS
CHUNK = 128



def _seg_sum_body(n_nodes, rows_per_tile, n_chunks,
                  h_hbm, src_hbm, dst_hbm, zeros_hbm, out_hbm,
                  src_v, dst_v, rows_v, acc, gsem):
    c = lax.axis_index("c")
    s = lax.axis_index("s")
    wid = s * NC + c

    pltpu.sync_copy(zeros_hbm, acc.at[pl.ds(s * rows_per_tile, rows_per_tile)])
    pltpu.sync_copy(src_hbm.at[wid], src_v)
    pltpu.sync_copy(dst_hbm.at[wid], dst_v)
    plsc.subcore_barrier()

    def body(j, carry):
        pltpu.async_copy(h_hbm.at[src_v.at[j]], rows_v, gsem).wait()
        pltpu.sync_copy(rows_v, acc.at[dst_v.at[j]], add=True)
        return carry

    lax.fori_loop(0, n_chunks, body, 0)
    plsc.subcore_barrier()

    tail = n_nodes - (NS - 1) * rows_per_tile

    @pl.when(s < NS - 1)
    def _():
        pltpu.sync_copy(
            acc.at[pl.ds(s * rows_per_tile, rows_per_tile)],
            out_hbm.at[c, pl.ds(s * rows_per_tile, rows_per_tile)])

    @pl.when(s == NS - 1)
    def _():
        pltpu.sync_copy(
            acc.at[pl.ds((NS - 1) * rows_per_tile, tail)],
            out_hbm.at[c, pl.ds((NS - 1) * rows_per_tile, tail)])


def _segment_sum_sc(h, src3, dst3, zeros, n_nodes, acc_rows):
    d = h.shape[1]
    n_chunks = src3.shape[1]
    rows_per_tile = acc_rows // NS
    body = functools.partial(_seg_sum_body, n_nodes, rows_per_tile, n_chunks)
    kern = pl.kernel(
        body,
        mesh=plsc.VectorSubcoreMesh(core_axis_name="c", subcore_axis_name="s"),
        compiler_params=pltpu.CompilerParams(use_tc_tiling_on_sc=False),
        out_type=jax.ShapeDtypeStruct((NC, n_nodes, d), jnp.float32),
        scratch_types=[
            pltpu.VMEM((n_chunks, CHUNK), jnp.int32),
            pltpu.VMEM((n_chunks, CHUNK), jnp.int32),
            pltpu.VMEM((CHUNK, d), jnp.float32),
            pltpu.VMEM_SHARED((acc_rows, d), jnp.float32),
            pltpu.SemaphoreType.DMA,
        ],
    )
    return kern(h, src3, dst3, zeros)



def _tc1_body(x_ref, w1_ref, wr1_ref, br1_ref, h_ref, res_ref):
    x = x_ref[...]
    h_ref[...] = jnp.dot(x, w1_ref[...], preferred_element_type=jnp.float32)
    res = jnp.dot(x, wr1_ref[...], preferred_element_type=jnp.float32)
    res_ref[...] = jnp.maximum(res + br1_ref[...], 0.0)


def _bn(t, g, b):
    m = jnp.mean(t, axis=0, keepdims=True)
    v = jnp.mean(jnp.square(t - m), axis=0, keepdims=True)
    return (t - m) * jax.lax.rsqrt(v + 1e-5) * g + b


def _tc2_body(aggp_ref, b1_ref, res_ref, g1_ref, be1_ref, h1_ref):
    agg = aggp_ref[0] + aggp_ref[1]
    rst = jnp.maximum(agg + b1_ref[...], 0.0)
    h1_ref[...] = _bn(rst + res_ref[...], g1_ref[...], be1_ref[...])


def _tc3_body(agg2p_ref, w2_ref, b2_ref, h1_ref, wr2_ref, br2_ref,
              g2_ref, be2_ref, wg_ref, bg_ref, out_ref):
    agg2 = agg2p_ref[0] + agg2p_ref[1]
    rst2 = jnp.dot(agg2, w2_ref[...], preferred_element_type=jnp.float32)
    rst2 = jnp.maximum(rst2 + b2_ref[...], 0.0)
    res2 = jnp.dot(h1_ref[...], wr2_ref[...], preferred_element_type=jnp.float32)
    res2 = jnp.maximum(res2 + br2_ref[...], 0.0)
    h2 = _bn(rst2 + res2, g2_ref[...], be2_ref[...])
    wlog = jnp.dot(h2, wg_ref[...], preferred_element_type=jnp.float32)
    w = jax.nn.sigmoid(wlog + bg_ref[...])
    d = h2.shape[1]
    out_ref[:, :d] = jnp.sum(w * h2, axis=0, keepdims=True)
    out_ref[:, d:] = jnp.max(h2, axis=0, keepdims=True)


def kernel(x, edge_index, W1, b1, Wr1, br1, g1, be1, W2, b2, Wr2, br2,
           g2, be2, Wg, bg):
    n, d_in = x.shape
    d_h = W1.shape[1]
    e = edge_index.shape[1]

    cpw = -(-e // (NW * CHUNK))
    ep = NW * cpw * CHUNK
    acc_rows = -(-(n + 1) // (NS * 8)) * (NS * 8)
    src = edge_index[0]
    dst = edge_index[1]
    pad_dst = n + jnp.arange(ep - e, dtype=jnp.int32) % (acc_rows - n)
    src3 = jnp.concatenate(
        [src, jnp.zeros((ep - e,), jnp.int32)]).reshape(NW, cpw, CHUNK)
    dst3 = jnp.concatenate([dst, pad_dst]).reshape(NW, cpw, CHUNK)
    zeros = jnp.zeros((acc_rows // NS, d_h), jnp.float32)

    h, res = pl.pallas_call(
        _tc1_body,
        out_shape=[jax.ShapeDtypeStruct((n, d_h), jnp.float32),
                   jax.ShapeDtypeStruct((n, d_h), jnp.float32)],
    )(x, W1, Wr1, br1.reshape(1, d_h))

    aggp = _segment_sum_sc(h, src3, dst3, zeros, n, acc_rows)

    h1 = pl.pallas_call(
        _tc2_body,
        out_shape=jax.ShapeDtypeStruct((n, d_h), jnp.float32),
    )(aggp, b1.reshape(1, d_h), res, g1.reshape(1, d_h), be1.reshape(1, d_h))

    agg2p = _segment_sum_sc(h1, src3, dst3, zeros, n, acc_rows)

    out = pl.pallas_call(
        _tc3_body,
        out_shape=jax.ShapeDtypeStruct((1, 2 * d_h), jnp.float32),
    )(agg2p, W2, b2.reshape(1, d_h), h1, Wr2, br2.reshape(1, d_h),
      g2.reshape(1, d_h), be2.reshape(1, d_h), Wg, bg.reshape(1, 1))
    return out

# --- scband reference (transcript-rebuilt; emitter-appended) ---
"""Pipeline reference for scband-graph-encoder-gcn-80728205296347 (READ-ONLY COPY).

The authoritative reference and input builder live on the scoring server;
editing this copy changes nothing except your own understanding.
"""

import jax, jax.numpy as jnp
import numpy as np

N = 10000
E = 320000
D_IN = 128
D_H = 64


def setup_inputs(seed: int = 0) -> dict:
    key = jax.random.key(seed)
    ks = jax.random.split(key, 20)
    x = jax.random.normal(ks[0], (N, D_IN), dtype=jnp.float32)
    edge_index = jax.random.randint(ks[1], (2, E), 0, N, dtype=jnp.int32)
    s1 = 1.0 / np.sqrt(D_IN)
    s2 = 1.0 / np.sqrt(D_H)
    return {
        'x': x,
        'edge_index': edge_index,
        'W1': jax.random.normal(ks[2], (D_IN, D_H), dtype=jnp.float32) * s1,
        'b1': jnp.zeros((D_H,), dtype=jnp.float32),
        'Wr1': jax.random.normal(ks[3], (D_IN, D_H), dtype=jnp.float32) * s1,
        'br1': jnp.zeros((D_H,), dtype=jnp.float32),
        'g1': jnp.ones((D_H,), dtype=jnp.float32),
        'be1': jnp.zeros((D_H,), dtype=jnp.float32),
        'W2': jax.random.normal(ks[4], (D_H, D_H), dtype=jnp.float32) * s2,
        'b2': jnp.zeros((D_H,), dtype=jnp.float32),
        'Wr2': jax.random.normal(ks[5], (D_H, D_H), dtype=jnp.float32) * s2,
        'br2': jnp.zeros((D_H,), dtype=jnp.float32),
        'g2': jnp.ones((D_H,), dtype=jnp.float32),
        'be2': jnp.zeros((D_H,), dtype=jnp.float32),
        'Wg': jax.random.normal(ks[6], (D_H, 1), dtype=jnp.float32) * s2,
        'bg': jnp.zeros((1,), dtype=jnp.float32),
    }


def _bn(h, g, b):
    # BatchNorm1d (training-mode batch statistics), gamma/beta learned
    m = jnp.mean(h, axis=0)
    v = jnp.var(h, axis=0)
    return (h - m) / jnp.sqrt(v + 1e-5) * g + b


def reference(x, edge_index, W1, b1, Wr1, br1, g1, be1, W2, b2, Wr2, br2, g2, be2, Wg, bg):
    src = edge_index[0]
    dst = edge_index[1]
    n = x.shape[0]
    # --- GCNLayer 1 (GraphConv norm='none'; in_feats > out_feats -> matmul then aggregate) ---
    h = x @ W1
    agg = jax.ops.segment_sum(jnp.take(h, src, axis=0), dst, num_segments=n)
    rst = jax.nn.relu(agg + b1)
    res = jax.nn.relu(x @ Wr1 + br1)
    h1 = _bn(rst + res, g1, be1)
    # --- GCNLayer 2 (in_feats == out_feats -> aggregate then matmul) ---
    agg2 = jax.ops.segment_sum(jnp.take(h1, src, axis=0), dst, num_segments=n)
    rst2 = jax.nn.relu(agg2 @ W2 + b2)
    res2 = jax.nn.relu(h1 @ Wr2 + br2)
    h2 = _bn(rst2 + res2, g2, be2)
    # --- WeightedSumAndMax readout (single-graph batch) ---
    w = jax.nn.sigmoid(h2 @ Wg + bg)
    hg_sum = jnp.sum(w * h2, axis=0)
    hg_max = jnp.max(h2, axis=0)
    return jnp.concatenate([hg_sum, hg_max])[None, :]

if __name__ == "__main__":
    import jax
    _d = setup_inputs()
    print(jax.jit(kernel)(*tuple(_d.values())))

</pallas_src>

<mosaic_0001>
#map = affine_map<(d0, d1) -> (0, 0)>
#map1 = affine_map<(d0, d1) -> (0, 0, 0)>
module attributes {stable_mosaic.version = 14 : i64} {
  func.func @_seg_sum_body(%arg0: i32, %arg1: i32, %arg2: memref<10000x64xf32, #tpu.memory_space<hbm>>, %arg3: memref<32x79x128xi32, #tpu.memory_space<hbm>>, %arg4: memref<32x79x128xi32, #tpu.memory_space<hbm>>, %arg5: memref<632x64xf32, #tpu.memory_space<hbm>>, %arg6: memref<2x10000x64xf32, #tpu.memory_space<hbm>>, %arg7: memref<79x128xi32, #tpu.memory_space<vmem>>, %arg8: memref<79x128xi32, #tpu.memory_space<vmem>>, %arg9: memref<128x64xf32, #tpu.memory_space<vmem>>, %arg10: memref<10112x64xf32, #tpu.memory_space<vmem_shared>>, %arg11: memref<!tpu.dma_semaphore, #tpu.memory_space<semaphore_mem>>) attributes {dimension_semantics = [#tpu.dimension_semantics<core_parallel>, #tpu.dimension_semantics<subcore_parallel>], iteration_bounds = array<i64: 2, 16>, scalar_prefetch = 0 : i64, scratch_operands = 5 : i64, tpu.core_type = #tpu.core_type<sc_vector_subcore>, window_params = [{transform_indices = #map}, {transform_indices = #map1}, {transform_indices = #map1}, {transform_indices = #map}, {transform_indices = #map1}]} {
    %mul3A = arith.constant 2 : i32
    %mul3A_0 = arith.muli %arg1, %mul3A : i32
    %add3A = arith.addi %mul3A_0, %arg0 : i32
    %mul3A_1 = arith.constant 632 : i32
    %mul3A_2 = arith.muli %arg1, %mul3A_1 : i32
    "tpu.region"() ({
      %run_scoped3A = tpu.sem_alloc : memref<!tpu.dma_semaphore, #tpu.memory_space<semaphore_mem>>
      %dma_start3A = arith.constant 0 : i32
      %dma_start3A_15 = tpu.memref_slice %arg10[%mul3A_2, %dma_start3A] : memref<10112x64xf32, #tpu.memory_space<vmem_shared>> -> memref<632x64xf32, #tpu.memory_space<vmem_shared>>
      tpu.enqueue_dma source(%arg5 : memref<632x64xf32, #tpu.memory_space<hbm>>) target(%dma_start3A_15 : memref<632x64xf32, #tpu.memory_space<vmem_shared>>) target_semaphore(%run_scoped3A : memref<!tpu.dma_semaphore, #tpu.memory_space<semaphore_mem>>)
      %dma_wait3A = arith.constant 0 : i32
      %dma_wait3A_16 = tpu.memref_slice %arg10[%mul3A_2, %dma_wait3A] : memref<10112x64xf32, #tpu.memory_space<vmem_shared>> -> memref<632x64xf32, #tpu.memory_space<vmem_shared>>
      tpu.wait_dma2 semaphore(%run_scoped3A : memref<!tpu.dma_semaphore, #tpu.memory_space<semaphore_mem>>) src(%arg5 : memref<632x64xf32, #tpu.memory_space<hbm>>) dst(%dma_wait3A_16 : memref<632x64xf32, #tpu.memory_space<vmem_shared>>)
      tpu.yield
    }) : () -> ()
    "tpu.region"() ({
      %run_scoped3A = tpu.sem_alloc : memref<!tpu.dma_semaphore, #tpu.memory_space<semaphore_mem>>
      %dma_start3A = arith.constant 0 : i32
      %dma_start3A_15 = arith.constant 0 : i32
      %dma_start3A_16 = tpu.memref_slice %arg3[%add3A, %dma_start3A, %dma_start3A_15] : memref<32x79x128xi32, #tpu.memory_space<hbm>> -> memref<1x79x128xi32, #tpu.memory_space<hbm>>
      %dma_start3A_17 = tpu.memref_squeeze %dma_start3A_16 : memref<1x79x128xi32, #tpu.memory_space<hbm>> -> memref<79x128xi32, #tpu.memory_space<hbm>>
      %dma_start3A_18 = arith.constant 0 : i32
      %dma_start3A_19 = arith.constant 0 : i32
      %dma_start3A_20 = tpu.memref_slice %arg3[%add3A, %dma_start3A_18, %dma_start3A_19] : memref<32x79x128xi32, #tpu.memory_space<hbm>> -> memref<1x79x128xi32, #tpu.memory_space<hbm>>
      %dma_start3A_21 = tpu.memref_squeeze %dma_start3A_20 : memref<1x79x128xi32, #tpu.memory_space<hbm>> -> memref<79x128xi32, #tpu.memory_space<hbm>>
      tpu.enqueue_dma source(%dma_start3A_21 : memref<79x128xi32, #tpu.memory_space<hbm>>) target(%arg7 : memref<79x128xi32, #tpu.memory_space<vmem>>) target_semaphore(%run_scoped3A : memref<!tpu.dma_semaphore, #tpu.memory_space<semaphore_mem>>)
      %dma_wait3A = arith.constant 0 : i32
      %dma_wait3A_22 = arith.constant 0 : i32
      %dma_wait3A_23 = tpu.memref_slice %arg3[%add3A, %dma_wait3A, %dma_wait3A_22] : memref<32x79x128xi32, #tpu.memory_space<hbm>> -> memref<1x79x128xi32, #tpu.memory_space<hbm>>
      %dma_wait3A_24 = tpu.memref_squeeze %dma_wait3A_23 : memref<1x79x128xi32, #tpu.memory_space<hbm>> -> memref<79x128xi32, #tpu.memory_space<hbm>>
      %dma_wait3A_25 = arith.constant 0 : i32
      %dma_wait3A_26 = arith.constant 0 : i32
      %dma_wait3A_27 = tpu.memref_slice %arg3[%add3A, %dma_wait3A_25, %dma_wait3A_26] : memref<32x79x128xi32, #tpu.memory_space<hbm>> -> memref<1x79x128xi32, #tpu.memory_space<hbm>>
      %dma_wait3A_28 = tpu.memref_squeeze %dma_wait3A_27 : memref<1x79x128xi32, #tpu.memory_space<hbm>> -> memref<79x128xi32, #tpu.memory_space<hbm>>
      tpu.wait_dma2 semaphore(%run_scoped3A : memref<!tpu.dma_semaphore, #tpu.memory_space<semaphore_mem>>) src(%dma_wait3A_28 : memref<79x128xi32, #tpu.memory_space<hbm>>) dst(%arg7 : memref<79x128xi32, #tpu.memory_space<vmem>>)
      tpu.yield
    }) : () -> ()
    "tpu.region"() ({
      %run_scoped3A = tpu.sem_alloc : memref<!tpu.dma_semaphore, #tpu.memory_space<semaphore_mem>>
      %dma_start3A = arith.constant 0 : i32
      %dma_start3A_15 = arith.constant 0 : i32
      %dma_start3A_16 = tpu.memref_slice %arg4[%add3A, %dma_start3A, %dma_start3A_15] : memref<32x79x128xi32, #tpu.memory_space<hbm>> -> memref<1x79x128xi32, #tpu.memory_space<hbm>>
      %dma_start3A_17 = tpu.memref_squeeze %dma_start3A_16 : memref<1x79x128xi32, #tpu.memory_space<hbm>> -> memref<79x128xi32, #tpu.memory_space<hbm>>
      %dma_start3A_18 = arith.constant 0 : i32
      %dma_start3A_19 = arith.constant 0 : i32
      %dma_start3A_20 = tpu.memref_slice %arg4[%add3A, %dma_start3A_18, %dma_start3A_19] : memref<32x79x128xi32, #tpu.memory_space<hbm>> -> memref<1x79x128xi32, #tpu.memory_space<hbm>>
      %dma_start3A_21 = tpu.memref_squeeze %dma_start3A_20 : memref<1x79x128xi32, #tpu.memory_space<hbm>> -> memref<79x128xi32, #tpu.memory_space<hbm>>
      tpu.enqueue_dma source(%dma_start3A_21 : memref<79x128xi32, #tpu.memory_space<hbm>>) target(%arg8 : memref<79x128xi32, #tpu.memory_space<vmem>>) target_semaphore(%run_scoped3A : memref<!tpu.dma_semaphore, #tpu.memory_space<semaphore_mem>>)
      %dma_wait3A = arith.constant 0 : i32
      %dma_wait3A_22 = arith.constant 0 : i32
      %dma_wait3A_23 = tpu.memref_slice %arg4[%add3A, %dma_wait3A, %dma_wait3A_22] : memref<32x79x128xi32, #tpu.memory_space<hbm>> -> memref<1x79x128xi32, #tpu.memory_space<hbm>>
      %dma_wait3A_24 = tpu.memref_squeeze %dma_wait3A_23 : memref<1x79x128xi32, #tpu.memory_space<hbm>> -> memref<79x128xi32, #tpu.memory_space<hbm>>
      %dma_wait3A_25 = arith.constant 0 : i32
      %dma_wait3A_26 = arith.constant 0 : i32
      %dma_wait3A_27 = tpu.memref_slice %arg4[%add3A, %dma_wait3A_25, %dma_wait3A_26] : memref<32x79x128xi32, #tpu.memory_space<hbm>> -> memref<1x79x128xi32, #tpu.memory_space<hbm>>
      %dma_wait3A_28 = tpu.memref_squeeze %dma_wait3A_27 : memref<1x79x128xi32, #tpu.memory_space<hbm>> -> memref<79x128xi32, #tpu.memory_space<hbm>>
      tpu.wait_dma2 semaphore(%run_scoped3A : memref<!tpu.dma_semaphore, #tpu.memory_space<semaphore_mem>>) src(%dma_wait3A_28 : memref<79x128xi32, #tpu.memory_space<hbm>>) dst(%arg8 : memref<79x128xi32, #tpu.memory_space<vmem>>)
      tpu.yield
    }) : () -> ()
    %barrier3A = arith.constant 0 : index
    tpu.barrier barrier_id(%barrier3A)
    %scan3A = arith.constant 0 : i32
    %scan3A_3 = arith.constant 0 : i32
    %scan3A_4 = arith.constant 79 : i32
    %scan3A_5 = arith.addi %scan3A_3, %scan3A_4 : i32
    %scan3A_6 = arith.constant 1 : i32
    scf.for %scan3A_15 = %scan3A_3 to %scan3A_5 step %scan3A_6  : i32 {
      %dma_start3A = arith.constant 0 : i32
      %dma_start3A_16 = tpu.memref_slice %arg7[%scan3A_15, %dma_start3A] : memref<79x128xi32, #tpu.memory_space<vmem>> -> memref<1x128xi32, #tpu.memory_space<vmem>>
      %dma_start3A_17 = tpu.memref_squeeze %dma_start3A_16 : memref<1x128xi32, #tpu.memory_space<vmem>> -> memref<128xi32, #tpu.memory_space<vmem>>
      %dma_start3A_18 = arith.constant 0 : i32
      %dma_start3A_19 = arith.constant 0 : i32
      %dma_start3A_20 = tpu.memref_slice %arg2[%dma_start3A_18, %dma_start3A_19] : memref<10000x64xf32, #tpu.memory_space<hbm>> -> memref<10000x64xf32, #tpu.memory_space<hbm>>
      tpu.enqueue_indirect_dma source(%dma_start3A_20 : memref<10000x64xf32, #tpu.memory_space<hbm>>) target(%arg9 : memref<128x64xf32, #tpu.memory_space<vmem>>) offsets(%dma_start3A_17 : memref<128xi32, #tpu.memory_space<vmem>>) semaphore(%arg11 : memref<!tpu.dma_semaphore, #tpu.memory_space<semaphore_mem>>)
      %dma_wait3A = arith.constant 0 : i32
      %dma_wait3A_21 = tpu.memref_slice %arg7[%scan3A_15, %dma_wait3A] : memref<79x128xi32, #tpu.memory_space<vmem>> -> memref<1x128xi32, #tpu.memory_space<vmem>>
      %dma_wait3A_22 = tpu.memref_squeeze %dma_wait3A_21 : memref<1x128xi32, #tpu.memory_space<vmem>> -> memref<128xi32, #tpu.memory_space<vmem>>
      %dma_wait3A_23 = arith.constant 0 : i32
      %dma_wait3A_24 = arith.constant 0 : i32
      %dma_wait3A_25 = tpu.memref_slice %arg2[%dma_wait3A_23, %dma_wait3A_24] : memref<10000x64xf32, #tpu.memory_space<hbm>> -> memref<10000x64xf32, #tpu.memory_space<hbm>>
      tpu.wait_indirect_dma semaphore(%arg11 : memref<!tpu.dma_semaphore, #tpu.memory_space<semaphore_mem>>) src(%dma_wait3A_25 : memref<10000x64xf32, #tpu.memory_space<hbm>>) dst(%arg9 : memref<128x64xf32, #tpu.memory_space<vmem>>)
      "tpu.region"() ({
        %run_scoped3A = tpu.sem_alloc : memref<!tpu.dma_semaphore, #tpu.memory_space<semaphore_mem>>
        %dma_start3A_26 = arith.constant 0 : i32
        %dma_start3A_27 = tpu.memref_slice %arg8[%scan3A_15, %dma_start3A_26] : memref<79x128xi32, #tpu.memory_space<vmem>> -> memref<1x128xi32, #tpu.memory_space<vmem>>
        %dma_start3A_28 = tpu.memref_squeeze %dma_start3A_27 : memref<1x128xi32, #tpu.memory_space<vmem>> -> memref<128xi32, #tpu.memory_space<vmem>>
        %dma_start3A_29 = arith.constant 0 : i32
        %dma_start3A_30 = arith.constant 0 : i32
        %dma_start3A_31 = tpu.memref_slice %arg10[%dma_start3A_29, %dma_start3A_30] : memref<10112x64xf32, #tpu.memory_space<vmem_shared>> -> memref<10112x64xf32, #tpu.memory_space<vmem_shared>>
        tpu.enqueue_indirect_dma source(%arg9 : memref<128x64xf32, #tpu.memory_space<vmem>>) target(%dma_start3A_31 : memref<10112x64xf32, #tpu.memory_space<vmem_shared>>) offsets(%dma_start3A_28 : memref<128xi32, #tpu.memory_space<vmem>>) semaphore(%run_scoped3A : memref<!tpu.dma_semaphore, #tpu.memory_space<semaphore_mem>>) {add = true}
        %dma_wait3A_32 = arith.constant 0 : i32
        %dma_wait3A_33 = tpu.memref_slice %arg8[%scan3A_15, %dma_wait3A_32] : memref<79x128xi32, #tpu.memory_space<vmem>> -> memref<1x128xi32, #tpu.memory_space<vmem>>
        %dma_wait3A_34 = tpu.memref_squeeze %dma_wait3A_33 : memref<1x128xi32, #tpu.memory_space<vmem>> -> memref<128xi32, #tpu.memory_space<vmem>>
        %dma_wait3A_35 = arith.constant 0 : i32
        %dma_wait3A_36 = arith.constant 0 : i32
        %dma_wait3A_37 = tpu.memref_slice %arg10[%dma_wait3A_35, %dma_wait3A_36] : memref<10112x64xf32, #tpu.memory_space<vmem_shared>> -> memref<10112x64xf32, #tpu.memory_space<vmem_shared>>
        tpu.wait_indirect_dma semaphore(%run_scoped3A : memref<!tpu.dma_semaphore, #tpu.memory_space<semaphore_mem>>) src(%arg9 : memref<128x64xf32, #tpu.memory_space<vmem>>) dst(%dma_wait3A_37 : memref<10112x64xf32, #tpu.memory_space<vmem_shared>>)
        tpu.yield
      }) : () -> ()
    }
    %scan3A_7 = arith.constant 79 : i32
    %barrier3A_8 = arith.constant 0 : index
    tpu.barrier barrier_id(%barrier3A_8)
    %lt3A = arith.constant 15 : i32
    %lt3A_9 = arith.cmpi slt, %arg1, %lt3A : i32
    %convert_element_type3A = arith.extui %lt3A_9 : i1 to i32
    %cond3A = arith.constant 0 : i32
    %cond3A_10 = arith.cmpi ne, %convert_element_type3A, %cond3A : i32
    scf.if %cond3A_10 {
      %mul3A_15 = arith.constant 632 : i32
      %mul3A_16 = arith.muli %arg1, %mul3A_15 : i32
      %mul3A_17 = arith.constant 632 : i32
      %mul3A_18 = arith.muli %arg1, %mul3A_17 : i32
      "tpu.region"() ({
        %run_scoped3A = tpu.sem_alloc : memref<!tpu.dma_semaphore, #tpu.memory_space<semaphore_mem>>
        %dma_start3A = arith.constant 0 : i32
        %dma_start3A_19 = tpu.memref_slice %arg6[%arg0, %mul3A_18, %dma_start3A] : memref<2x10000x64xf32, #tpu.memory_space<hbm>> -> memref<1x632x64xf32, #tpu.memory_space<hbm>>
        %dma_start3A_20 = tpu.memref_squeeze %dma_start3A_19 : memref<1x632x64xf32, #tpu.memory_space<hbm>> -> memref<632x64xf32, #tpu.memory_space<hbm>>
        %dma_start3A_21 = arith.constant 0 : i32
        %dma_start3A_22 = tpu.memref_slice %arg10[%mul3A_16, %dma_start3A_21] : memref<10112x64xf32, #tpu.memory_space<vmem_shared>> -> memref<632x64xf32, #tpu.memory_space<vmem_shared>>
        tpu.enqueue_dma source(%dma_start3A_22 : memref<632x64xf32, #tpu.memory_space<vmem_shared>>) target(%dma_start3A_20 : memref<632x64xf32, #tpu.memory_space<hbm>>) target_semaphore(%run_scoped3A : memref<!tpu.dma_semaphore, #tpu.memory_space<semaphore_mem>>)
        %dma_wait3A = arith.constant 0 : i32
        %dma_wait3A_23 = tpu.memref_slice %arg6[%arg0, %mul3A_18, %dma_wait3A] : memref<2x10000x64xf32, #tpu.memory_space<hbm>> -> memref<1x632x64xf32, #tpu.memory_space<hbm>>
        %dma_wait3A_24 = tpu.memref_squeeze %dma_wait3A_23 : memref<1x632x64xf32, #tpu.memory_space<hbm>> -> memref<632x64xf32, #tpu.memory_space<hbm>>
        %dma_wait3A_25 = arith.constant 0 : i32
        %dma_wait3A_26 = tpu.memref_slice %arg10[%mul3A_16, %dma_wait3A_25] : memref<10112x64xf32, #tpu.memory_space<vmem_shared>> -> memref<632x64xf32, #tpu.memory_space<vmem_shared>>
        tpu.wait_dma2 semaphore(%run_scoped3A : memref<!tpu.dma_semaphore, #tpu.memory_space<semaphore_mem>>) src(%dma_wait3A_26 : memref<632x64xf32, #tpu.memory_space<vmem_shared>>) dst(%dma_wait3A_24 : memref<632x64xf32, #tpu.memory_space<hbm>>)
        tpu.yield
      }) : () -> ()
    } else {
    }
    %eq3A = arith.constant 15 : i32
    %eq3A_11 = arith.cmpi eq, %arg1, %eq3A : i32
    %convert_element_type3A_12 = arith.extui %eq3A_11 : i1 to i32
    %cond3A_13 = arith.constant 0 : i32
    %cond3A_14 = arith.cmpi ne, %convert_element_type3A_12, %cond3A_13 : i32
    scf.if %cond3A_14 {
      "tpu.region"() ({
        %run_scoped3A = tpu.sem_alloc : memref<!tpu.dma_semaphore, #tpu.memory_space<semaphore_mem>>
        %dma_start3A = arith.constant 9480 : i32
        %dma_start3A_15 = arith.constant 0 : i32
        %dma_start3A_16 = tpu.memref_slice %arg6[%arg0, %dma_start3A, %dma_start3A_15] : memref<2x10000x64xf32, #tpu.memory_space<hbm>> -> memref<1x520x64xf32, #tpu.memory_space<hbm>>
        %dma_start3A_17 = tpu.memref_squeeze %dma_start3A_16 : memref<1x520x64xf32, #tpu.memory_space<hbm>> -> memref<520x64xf32, #tpu.memory_space<hbm>>
        %dma_start3A_18 = arith.constant 9480 : i32
        %dma_start3A_19 = arith.constant 0 : i32
        %dma_start3A_20 = tpu.memref_slice %arg10[%dma_start3A_18, %dma_start3A_19] : memref<10112x64xf32, #tpu.memory_space<vmem_shared>> -> memref<520x64xf32, #tpu.memory_space<vmem_shared>>
        tpu.enqueue_dma source(%dma_start3A_20 : memref<520x64xf32, #tpu.memory_space<vmem_shared>>) target(%dma_start3A_17 : memref<520x64xf32, #tpu.memory_space<hbm>>) target_semaphore(%run_scoped3A : memref<!tpu.dma_semaphore, #tpu.memory_space<semaphore_mem>>)
        %dma_wait3A = arith.constant 9480 : i32
        %dma_wait3A_21 = arith.constant 0 : i32
        %dma_wait3A_22 = tpu.memref_slice %arg6[%arg0, %dma_wait3A, %dma_wait3A_21] : memref<2x10000x64xf32, #tpu.memory_space<hbm>> -> memref<1x520x64xf32, #tpu.memory_space<hbm>>
        %dma_wait3A_23 = tpu.memref_squeeze %dma_wait3A_22 : memref<1x520x64xf32, #tpu.memory_space<hbm>> -> memref<520x64xf32, #tpu.memory_space<hbm>>
        %dma_wait3A_24 = arith.constant 9480 : i32
        %dma_wait3A_25 = arith.constant 0 : i32
        %dma_wait3A_26 = tpu.memref_slice %arg10[%dma_wait3A_24, %dma_wait3A_25] : memref<10112x64xf32, #tpu.memory_space<vmem_shared>> -> memref<520x64xf32, #tpu.memory_space<vmem_shared>>
        tpu.wait_dma2 semaphore(%run_scoped3A : memref<!tpu.dma_semaphore, #tpu.memory_space<semaphore_mem>>) src(%dma_wait3A_26 : memref<520x64xf32, #tpu.memory_space<vmem_shared>>) dst(%dma_wait3A_23 : memref<520x64xf32, #tpu.memory_space<hbm>>)
        tpu.yield
      }) : () -> ()
    } else {
    }
    return
  }
}

#map = affine_map<(d0, d1) -> (0, 0)>
#map1 = affine_map<(d0, d1) -> (0, 0, 0)>
module attributes {stable_mosaic.version = 14 : i64} {
  func.func @_seg_sum_body(%arg0: i32, %arg1: i32, %arg2: memref<10000x64xf32, #tpu.memory_space<hbm>>, %arg3: memref<32x79x128xi32, #tpu.memory_space<hbm>>, %arg4: memref<32x79x128xi32, #tpu.memory_space<hbm>>, %arg5: memref<632x64xf32, #tpu.memory_space<hbm>>, %arg6: memref<2x10000x64xf32, #tpu.memory_space<hbm>>, %arg7: memref<79x128xi32, #tpu.memory_space<vmem>>, %arg8: memref<79x128xi32, #tpu.memory_space<vmem>>, %arg9: memref<128x64xf32, #tpu.memory_space<vmem>>, %arg10: memref<10112x64xf32, #tpu.memory_space<vmem_shared>>, %arg11: memref<!tpu.dma_semaphore, #tpu.memory_space<semaphore_mem>>) attributes {dimension_semantics = [#tpu.dimension_semantics<core_parallel>, #tpu.dimension_semantics<subcore_parallel>], iteration_bounds = array<i64: 2, 16>, scalar_prefetch = 0 : i64, scratch_operands = 5 : i64, tpu.core_type = #tpu.core_type<sc_vector_subcore>, window_params = [{transform_indices = #map}, {transform_indices = #map1}, {transform_indices = #map1}, {transform_indices = #map}, {transform_indices = #map1}]} {
    %mul3A = arith.constant 2 : i32
    %mul3A_0 = arith.muli %arg1, %mul3A : i32
    %add3A = arith.addi %mul3A_0, %arg0 : i32
    %mul3A_1 = arith.constant 632 : i32
    %mul3A_2 = arith.muli %arg1, %mul3A_1 : i32
    "tpu.region"() ({
      %run_scoped3A = tpu.sem_alloc : memref<!tpu.dma_semaphore, #tpu.memory_space<semaphore_mem>>
      %dma_start3A = arith.constant 0 : i32
      %dma_start3A_15 = tpu.memref_slice %arg10[%mul3A_2, %dma_start3A] : memref<10112x64xf32, #tpu.memory_space<vmem_shared>> -> memref<632x64xf32, #tpu.memory_space<vmem_shared>>
      tpu.enqueue_dma source(%arg5 : memref<632x64xf32, #tpu.memory_space<hbm>>) target(%dma_start3A_15 : memref<632x64xf32, #tpu.memory_space<vmem_shared>>) target_semaphore(%run_scoped3A : memref<!tpu.dma_semaphore, #tpu.memory_space<semaphore_mem>>)
      %dma_wait3A = arith.constant 0 : i32
      %dma_wait3A_16 = tpu.memref_slice %arg10[%mul3A_2, %dma_wait3A] : memref<10112x64xf32, #tpu.memory_space<vmem_shared>> -> memref<632x64xf32, #tpu.memory_space<vmem_shared>>
      tpu.wait_dma2 semaphore(%run_scoped3A : memref<!tpu.dma_semaphore, #tpu.memory_space<semaphore_mem>>) src(%arg5 : memref<632x64xf32, #tpu.memory_space<hbm>>) dst(%dma_wait3A_16 : memref<632x64xf32, #tpu.memory_space<vmem_shared>>)
      tpu.yield
    }) : () -> ()
    "tpu.region"() ({
      %run_scoped3A = tpu.sem_alloc : memref<!tpu.dma_semaphore, #tpu.memory_space<semaphore_mem>>
      %dma_start3A = arith.constant 0 : i32
      %dma_start3A_15 = arith.constant 0 : i32
      %dma_start3A_16 = tpu.memref_slice %arg3[%add3A, %dma_start3A, %dma_start3A_15] : memref<32x79x128xi32, #tpu.memory_space<hbm>> -> memref<1x79x128xi32, #tpu.memory_space<hbm>>
      %dma_start3A_17 = tpu.memref_squeeze %dma_start3A_16 : memref<1x79x128xi32, #tpu.memory_space<hbm>> -> memref<79x128xi32, #tpu.memory_space<hbm>>
      %dma_start3A_18 = arith.constant 0 : i32
      %dma_start3A_19 = arith.constant 0 : i32
      %dma_start3A_20 = tpu.memref_slice %arg3[%add3A, %dma_start3A_18, %dma_start3A_19] : memref<32x79x128xi32, #tpu.memory_space<hbm>> -> memref<1x79x128xi32, #tpu.memory_space<hbm>>
      %dma_start3A_21 = tpu.memref_squeeze %dma_start3A_20 : memref<1x79x128xi32, #tpu.memory_space<hbm>> -> memref<79x128xi32, #tpu.memory_space<hbm>>
      tpu.enqueue_dma source(%dma_start3A_21 : memref<79x128xi32, #tpu.memory_space<hbm>>) target(%arg7 : memref<79x128xi32, #tpu.memory_space<vmem>>) target_semaphore(%run_scoped3A : memref<!tpu.dma_semaphore, #tpu.memory_space<semaphore_mem>>)
      %dma_wait3A = arith.constant 0 : i32
      %dma_wait3A_22 = arith.constant 0 : i32
      %dma_wait3A_23 = tpu.memref_slice %arg3[%add3A, %dma_wait3A, %dma_wait3A_22] : memref<32x79x128xi32, #tpu.memory_space<hbm>> -> memref<1x79x128xi32, #tpu.memory_space<hbm>>
      %dma_wait3A_24 = tpu.memref_squeeze %dma_wait3A_23 : memref<1x79x128xi32, #tpu.memory_space<hbm>> -> memref<79x128xi32, #tpu.memory_space<hbm>>
      %dma_wait3A_25 = arith.constant 0 : i32
      %dma_wait3A_26 = arith.constant 0 : i32
      %dma_wait3A_27 = tpu.memref_slice %arg3[%add3A, %dma_wait3A_25, %dma_wait3A_26] : memref<32x79x128xi32, #tpu.memory_space<hbm>> -> memref<1x79x128xi32, #tpu.memory_space<hbm>>
      %dma_wait3A_28 = tpu.memref_squeeze %dma_wait3A_27 : memref<1x79x128xi32, #tpu.memory_space<hbm>> -> memref<79x128xi32, #tpu.memory_space<hbm>>
      tpu.wait_dma2 semaphore(%run_scoped3A : memref<!tpu.dma_semaphore, #tpu.memory_space<semaphore_mem>>) src(%dma_wait3A_28 : memref<79x128xi32, #tpu.memory_space<hbm>>) dst(%arg7 : memref<79x128xi32, #tpu.memory_space<vmem>>)
      tpu.yield
    }) : () -> ()
    "tpu.region"() ({
      %run_scoped3A = tpu.sem_alloc : memref<!tpu.dma_semaphore, #tpu.memory_space<semaphore_mem>>
      %dma_start3A = arith.constant 0 : i32
      %dma_start3A_15 = arith.constant 0 : i32
      %dma_start3A_16 = tpu.memref_slice %arg4[%add3A, %dma_start3A, %dma_start3A_15] : memref<32x79x128xi32, #tpu.memory_space<hbm>> -> memref<1x79x128xi32, #tpu.memory_space<hbm>>
      %dma_start3A_17 = tpu.memref_squeeze %dma_start3A_16 : memref<1x79x128xi32, #tpu.memory_space<hbm>> -> memref<79x128xi32, #tpu.memory_space<hbm>>
      %dma_start3A_18 = arith.constant 0 : i32
      %dma_start3A_19 = arith.constant 0 : i32
      %dma_start3A_20 = tpu.memref_slice %arg4[%add3A, %dma_start3A_18, %dma_start3A_19] : memref<32x79x128xi32, #tpu.memory_space<hbm>> -> memref<1x79x128xi32, #tpu.memory_space<hbm>>
      %dma_start3A_21 = tpu.memref_squeeze %dma_start3A_20 : memref<1x79x128xi32, #tpu.memory_space<hbm>> -> memref<79x128xi32, #tpu.memory_space<hbm>>
      tpu.enqueue_dma source(%dma_start3A_21 : memref<79x128xi32, #tpu.memory_space<hbm>>) target(%arg8 : memref<79x128xi32, #tpu.memory_space<vmem>>) target_semaphore(%run_scoped3A : memref<!tpu.dma_semaphore, #tpu.memory_space<semaphore_mem>>)
      %dma_wait3A = arith.constant 0 : i32
      %dma_wait3A_22 = arith.constant 0 : i32
      %dma_wait3A_23 = tpu.memref_slice %arg4[%add3A, %dma_wait3A, %dma_wait3A_22] : memref<32x79x128xi32, #tpu.memory_space<hbm>> -> memref<1x79x128xi32, #tpu.memory_space<hbm>>
      %dma_wait3A_24 = tpu.memref_squeeze %dma_wait3A_23 : memref<1x79x128xi32, #tpu.memory_space<hbm>> -> memref<79x128xi32, #tpu.memory_space<hbm>>
      %dma_wait3A_25 = arith.constant 0 : i32
      %dma_wait3A_26 = arith.constant 0 : i32
      %dma_wait3A_27 = tpu.memref_slice %arg4[%add3A, %dma_wait3A_25, %dma_wait3A_26] : memref<32x79x128xi32, #tpu.memory_space<hbm>> -> memref<1x79x128xi32, #tpu.memory_space<hbm>>
      %dma_wait3A_28 = tpu.memref_squeeze %dma_wait3A_27 : memref<1x79x128xi32, #tpu.memory_space<hbm>> -> memref<79x128xi32, #tpu.memory_space<hbm>>
      tpu.wait_dma2 semaphore(%run_scoped3A : memref<!tpu.dma_semaphore, #tpu.memory_space<semaphore_mem>>) src(%dma_wait3A_28 : memref<79x128xi32, #tpu.memory_space<hbm>>) dst(%arg8 : memref<79x128xi32, #tpu.memory_space<vmem>>)
      tpu.yield
    }) : () -> ()
    %barrier3A = arith.constant 0 : index
    tpu.barrier barrier_id(%barrier3A)
    %scan3A = arith.constant 0 : i32
    %scan3A_3 = arith.constant 0 : i32
    %scan3A_4 = arith.constant 79 : i32
    %scan3A_5 = arith.addi %scan3A_3, %scan3A_4 : i32
    %scan3A_6 = arith.constant 1 : i32
    scf.for %scan3A_15 = %scan3A_3 to %scan3A_5 step %scan3A_6  : i32 {
      %dma_start3A = arith.constant 0 : i32
      %dma_start3A_16 = tpu.memref_slice %arg7[%scan3A_15, %dma_start3A] : memref<79x128xi32, #tpu.memory_space<vmem>> -> memref<1x128xi32, #tpu.memory_space<vmem>>
      %dma_start3A_17 = tpu.memref_squeeze %dma_start3A_16 : memref<1x128xi32, #tpu.memory_space<vmem>> -> memref<128xi32, #tpu.memory_space<vmem>>
      %dma_start3A_18 = arith.constant 0 : i32
      %dma_start3A_19 = arith.constant 0 : i32
      %dma_start3A_20 = tpu.memref_slice %arg2[%dma_start3A_18, %dma_start3A_19] : memref<10000x64xf32, #tpu.memory_space<hbm>> -> memref<10000x64xf32, #tpu.memory_space<hbm>>
      tpu.enqueue_indirect_dma source(%dma_start3A_20 : memref<10000x64xf32, #tpu.memory_space<hbm>>) target(%arg9 : memref<128x64xf32, #tpu.memory_space<vmem>>) offsets(%dma_start3A_17 : memref<128xi32, #tpu.memory_space<vmem>>) semaphore(%arg11 : memref<!tpu.dma_semaphore, #tpu.memory_space<semaphore_mem>>)
      %dma_wait3A = arith.constant 0 : i32
      %dma_wait3A_21 = tpu.memref_slice %arg7[%scan3A_15, %dma_wait3A] : memref<79x128xi32, #tpu.memory_space<vmem>> -> memref<1x128xi32, #tpu.memory_space<vmem>>
      %dma_wait3A_22 = tpu.memref_squeeze %dma_wait3A_21 : memref<1x128xi32, #tpu.memory_space<vmem>> -> memref<128xi32, #tpu.memory_space<vmem>>
      %dma_wait3A_23 = arith.constant 0 : i32
      %dma_wait3A_24 = arith.constant 0 : i32
      %dma_wait3A_25 = tpu.memref_slice %arg2[%dma_wait3A_23, %dma_wait3A_24] : memref<10000x64xf32, #tpu.memory_space<hbm>> -> memref<10000x64xf32, #tpu.memory_space<hbm>>
      tpu.wait_indirect_dma semaphore(%arg11 : memref<!tpu.dma_semaphore, #tpu.memory_space<semaphore_mem>>) src(%dma_wait3A_25 : memref<10000x64xf32, #tpu.memory_space<hbm>>) dst(%arg9 : memref<128x64xf32, #tpu.memory_space<vmem>>)
      "tpu.region"() ({
        %run_scoped3A = tpu.sem_alloc : memref<!tpu.dma_semaphore, #tpu.memory_space<semaphore_mem>>
        %dma_start3A_26 = arith.constant 0 : i32
        %dma_start3A_27 = tpu.memref_slice %arg8[%scan3A_15, %dma_start3A_26] : memref<79x128xi32, #tpu.memory_space<vmem>> -> memref<1x128xi32, #tpu.memory_space<vmem>>
        %dma_start3A_28 = tpu.memref_squeeze %dma_start3A_27 : memref<1x128xi32, #tpu.memory_space<vmem>> -> memref<128xi32, #tpu.memory_space<vmem>>
        %dma_start3A_29 = arith.constant 0 : i32
        %dma_start3A_30 = arith.constant 0 : i32
        %dma_start3A_31 = tpu.memref_slice %arg10[%dma_start3A_29, %dma_start3A_30] : memref<10112x64xf32, #tpu.memory_space<vmem_shared>> -> memref<10112x64xf32, #tpu.memory_space<vmem_shared>>
        tpu.enqueue_indirect_dma source(%arg9 : memref<128x64xf32, #tpu.memory_space<vmem>>) target(%dma_start3A_31 : memref<10112x64xf32, #tpu.memory_space<vmem_shared>>) offsets(%dma_start3A_28 : memref<128xi32, #tpu.memory_space<vmem>>) semaphore(%run_scoped3A : memref<!tpu.dma_semaphore, #tpu.memory_space<semaphore_mem>>) {add = true}
        %dma_wait3A_32 = arith.constant 0 : i32
        %dma_wait3A_33 = tpu.memref_slice %arg8[%scan3A_15, %dma_wait3A_32] : memref<79x128xi32, #tpu.memory_space<vmem>> -> memref<1x128xi32, #tpu.memory_space<vmem>>
        %dma_wait3A_34 = tpu.memref_squeeze %dma_wait3A_33 : memref<1x128xi32, #tpu.memory_space<vmem>> -> memref<128xi32, #tpu.memory_space<vmem>>
        %dma_wait3A_35 = arith.constant 0 : i32
        %dma_wait3A_36 = arith.constant 0 : i32
        %dma_wait3A_37 = tpu.memref_slice %arg10[%dma_wait3A_35, %dma_wait3A_36] : memref<10112x64xf32, #tpu.memory_space<vmem_shared>> -> memref<10112x64xf32, #tpu.memory_space<vmem_shared>>
        tpu.wait_indirect_dma semaphore(%run_scoped3A : memref<!tpu.dma_semaphore, #tpu.memory_space<semaphore_mem>>) src(%arg9 : memref<128x64xf32, #tpu.memory_space<vmem>>) dst(%dma_wait3A_37 : memref<10112x64xf32, #tpu.memory_space<vmem_shared>>)
        tpu.yield
      }) : () -> ()
    }
    %scan3A_7 = arith.constant 79 : i32
    %barrier3A_8 = arith.constant 0 : index
    tpu.barrier barrier_id(%barrier3A_8)
    %lt3A = arith.constant 15 : i32
    %lt3A_9 = arith.cmpi slt, %arg1, %lt3A : i32
    %convert_element_type3A = arith.extui %lt3A_9 : i1 to i32
    %cond3A = arith.constant 0 : i32
    %cond3A_10 = arith.cmpi ne, %convert_element_type3A, %cond3A : i32
    scf.if %cond3A_10 {
      %mul3A_15 = arith.constant 632 : i32
      %mul3A_16 = arith.muli %arg1, %mul3A_15 : i32
      %mul3A_17 = arith.constant 632 : i32
      %mul3A_18 = arith.muli %arg1, %mul3A_17 : i32
      "tpu.region"() ({
        %run_scoped3A = tpu.sem_alloc : memref<!tpu.dma_semaphore, #tpu.memory_space<semaphore_mem>>
        %dma_start3A = arith.constant 0 : i32
        %dma_start3A_19 = tpu.memref_slice %arg6[%arg0, %mul3A_18, %dma_start3A] : memref<2x10000x64xf32, #tpu.memory_space<hbm>> -> memref<1x632x64xf32, #tpu.memory_space<hbm>>
        %dma_start3A_20 = tpu.memref_squeeze %dma_start3A_19 : memref<1x632x64xf32, #tpu.memory_space<hbm>> -> memref<632x64xf32, #tpu.memory_space<hbm>>
        %dma_start3A_21 = arith.constant 0 : i32
        %dma_start3A_22 = tpu.memref_slice %arg10[%mul3A_16, %dma_start3A_21] : memref<10112x64xf32, #tpu.memory_space<vmem_shared>> -> memref<632x64xf32, #tpu.memory_space<vmem_shared>>
        tpu.enqueue_dma source(%dma_start3A_22 : memref<632x64xf32, #tpu.memory_space<vmem_shared>>) target(%dma_start3A_20 : memref<632x64xf32, #tpu.memory_space<hbm>>) target_semaphore(%run_scoped3A : memref<!tpu.dma_semaphore, #tpu.memory_space<semaphore_mem>>)
        %dma_wait3A = arith.constant 0 : i32
        %dma_wait3A_23 = tpu.memref_slice %arg6[%arg0, %mul3A_18, %dma_wait3A] : memref<2x10000x64xf32, #tpu.memory_space<hbm>> -> memref<1x632x64xf32, #tpu.memory_space<hbm>>
        %dma_wait3A_24 = tpu.memref_squeeze %dma_wait3A_23 : memref<1x632x64xf32, #tpu.memory_space<hbm>> -> memref<632x64xf32, #tpu.memory_space<hbm>>
        %dma_wait3A_25 = arith.constant 0 : i32
        %dma_wait3A_26 = tpu.memref_slice %arg10[%mul3A_16, %dma_wait3A_25] : memref<10112x64xf32, #tpu.memory_space<vmem_shared>> -> memref<632x64xf32, #tpu.memory_space<vmem_shared>>
        tpu.wait_dma2 semaphore(%run_scoped3A : memref<!tpu.dma_semaphore, #tpu.memory_space<semaphore_mem>>) src(%dma_wait3A_26 : memref<632x64xf32, #tpu.memory_space<vmem_shared>>) dst(%dma_wait3A_24 : memref<632x64xf32, #tpu.memory_space<hbm>>)
        tpu.yield
      }) : () -> ()
    } else {
    }
    %eq3A = arith.constant 15 : i32
    %eq3A_11 = arith.cmpi eq, %arg1, %eq3A : i32
    %convert_element_type3A_12 = arith.extui %eq3A_11 : i1 to i32
    %cond3A_13 = arith.constant 0 : i32
    %cond3A_14 = arith.cmpi ne, %convert_element_type3A_12, %cond3A_13 : i32
    scf.if %cond3A_14 {
      "tpu.region"() ({
        %run_scoped3A = tpu.sem_alloc : memref<!tpu.dma_semaphore, #tpu.memory_space<semaphore_mem>>
        %dma_start3A = arith.constant 9480 : i32
        %dma_start3A_15 = arith.constant 0 : i32
        %dma_start3A_16 = tpu.memref_slice %arg6[%arg0, %dma_start3A, %dma_start3A_15] : memref<2x10000x64xf32, #tpu.memory_space<hbm>> -> memref<1x520x64xf32, #tpu.memory_space<hbm>>
        %dma_start3A_17 = tpu.memref_squeeze %dma_start3A_16 : memref<1x520x64xf32, #tpu.memory_space<hbm>> -> memref<520x64xf32, #tpu.memory_space<hbm>>
        %dma_start3A_18 = arith.constant 9480 : i32
        %dma_start3A_19 = arith.constant 0 : i32
        %dma_start3A_20 = tpu.memref_slice %arg10[%dma_start3A_18, %dma_start3A_19] : memref<10112x64xf32, #tpu.memory_space<vmem_shared>> -> memref<520x64xf32, #tpu.memory_space<vmem_shared>>
        tpu.enqueue_dma source(%dma_start3A_20 : memref<520x64xf32, #tpu.memory_space<vmem_shared>>) target(%dma_start3A_17 : memref<520x64xf32, #tpu.memory_space<hbm>>) target_semaphore(%run_scoped3A : memref<!tpu.dma_semaphore, #tpu.memory_space<semaphore_mem>>)
        %dma_wait3A = arith.constant 9480 : i32
        %dma_wait3A_21 = arith.constant 0 : i32
        %dma_wait3A_22 = tpu.memref_slice %arg6[%arg0, %dma_wait3A, %dma_wait3A_21] : memref<2x10000x64xf32, #tpu.memory_space<hbm>> -> memref<1x520x64xf32, #tpu.memory_space<hbm>>
        %dma_wait3A_23 = tpu.memref_squeeze %dma_wait3A_22 : memref<1x520x64xf32, #tpu.memory_space<hbm>> -> memref<520x64xf32, #tpu.memory_space<hbm>>
        %dma_wait3A_24 = arith.constant 9480 : i32
        %dma_wait3A_25 = arith.constant 0 : i32
        %dma_wait3A_26 = tpu.memref_slice %arg10[%dma_wait3A_24, %dma_wait3A_25] : memref<10112x64xf32, #tpu.memory_space<vmem_shared>> -> memref<520x64xf32, #tpu.memory_space<vmem_shared>>
        tpu.wait_dma2 semaphore(%run_scoped3A : memref<!tpu.dma_semaphore, #tpu.memory_space<semaphore_mem>>) src(%dma_wait3A_26 : memref<520x64xf32, #tpu.memory_space<vmem_shared>>) dst(%dma_wait3A_23 : memref<520x64xf32, #tpu.memory_space<hbm>>)
        tpu.yield
      }) : () -> ()
    } else {
    }
    return
  }
}

module attributes {stable_mosaic.version = 14 : i64} {
  func.func @_tc1_body(%arg0: memref<10000x128xf32, #tpu.memory_space<vmem>>, %arg1: memref<128x64xf32, #tpu.memory_space<vmem>>, %arg2: memref<128x64xf32, #tpu.memory_space<vmem>>, %arg3: memref<1x64xf32, #tpu.memory_space<vmem>>, %arg4: memref<10000x64xf32, #tpu.memory_space<vmem>>, %arg5: memref<10000x64xf32, #tpu.memory_space<vmem>>) attributes {dimension_semantics = [], scalar_prefetch = 0 : i64, scratch_operands = 0 : i64, tpu.core_type = #tpu.core_type<tc>} {
    %get3A = arith.constant 0 : index
    %get3A_0 = arith.constant 0 : index
    %get3A_1 = vector.load %arg0[%get3A, %get3A_0] : memref<10000x128xf32, #tpu.memory_space<vmem>>, vector<10000x128xf32>
    %get3A_2 = arith.constant 0 : index
    %get3A_3 = arith.constant 0 : index
    %get3A_4 = vector.load %arg1[%get3A_2, %get3A_3] : memref<128x64xf32, #tpu.memory_space<vmem>>, vector<128x64xf32>
    %dot_general3A = arith.constant dense<0.000000e+00> : vector<10000x64xf32>
    %dot_general3A_5 = tpu.matmul %get3A_1, %get3A_4, %dot_general3A {dimension_numbers = #tpu.dot_dimension_numbers<[1], [0], [0], [1], [0, 0, 1, 1], [], []>, transpose_lhs_hint = false} : vector<10000x128xf32>, vector<128x64xf32>, vector<10000x64xf32> -> vector<10000x64xf32>
    %swap3A = arith.constant 0 : index
    %swap3A_6 = arith.constant 0 : index
    %swap3A_7 = vector.load %arg4[%swap3A, %swap3A_6] : memref<10000x64xf32, #tpu.memory_space<vmem>>, vector<10000x64xf32>
    tpu.vector_store %arg4[%swap3A, %swap3A_6], %dot_general3A_5 {strides = array<i32>} : memref<10000x64xf32, #tpu.memory_space<vmem>>, vector<10000x64xf32>,
    %get3A_8 = arith.constant 0 : index
    %get3A_9 = arith.constant 0 : index
    %get3A_10 = vector.load %arg2[%get3A_8, %get3A_9] : memref<128x64xf32, #tpu.memory_space<vmem>>, vector<128x64xf32>
    %dot_general3A_11 = arith.constant dense<0.000000e+00> : vector<10000x64xf32>
    %dot_general3A_12 = tpu.matmul %get3A_1, %get3A_10, %dot_general3A_11 {dimension_numbers = #tpu.dot_dimension_numbers<[1], [0], [0], [1], [0, 0, 1, 1], [], []>, transpose_lhs_hint = false} : vector<10000x128xf32>, vector<128x64xf32>, vector<10000x64xf32> -> vector<10000x64xf32>
    %get3A_13 = arith.constant 0 : index
    %get3A_14 = arith.constant 0 : index
    %get3A_15 = vector.load %arg3[%get3A_13, %get3A_14] : memref<1x64xf32, #tpu.memory_space<vmem>>, vector<1x64xf32>
    %add3A = vector.broadcast %get3A_15 : vector<1x64xf32> to vector<10000x64xf32>
    %add3A_16 = arith.addf %dot_general3A_12, %add3A : vector<10000x64xf32>
    %max3A = arith.constant 0.000000e+00 : f32
    %max3A_17 = vector.broadcast %max3A : f32 to vector<10000x64xf32>
    %max3A_18 = arith.maximumf %add3A_16, %max3A_17 : vector<10000x64xf32>
    %swap3A_19 = arith.constant 0 : index
    %swap3A_20 = arith.constant 0 : index
    %swap3A_21 = vector.load %arg5[%swap3A_19, %swap3A_20] : memref<10000x64xf32, #tpu.memory_space<vmem>>, vector<10000x64xf32>
    tpu.vector_store %arg5[%swap3A_19, %swap3A_20], %max3A_18 {strides = array<i32>} : memref<10000x64xf32, #tpu.memory_space<vmem>>, vector<10000x64xf32>,
    return
  }
}

module attributes {stable_mosaic.version = 14 : i64} {
  func.func @_tc2_body(%arg0: memref<2x10000x64xf32, #tpu.memory_space<vmem>>, %arg1: memref<1x64xf32, #tpu.memory_space<vmem>>, %arg2: memref<10000x64xf32, #tpu.memory_space<vmem>>, %arg3: memref<1x64xf32, #tpu.memory_space<vmem>>, %arg4: memref<1x64xf32, #tpu.memory_space<vmem>>, %arg5: memref<10000x64xf32, #tpu.memory_space<vmem>>) attributes {dimension_semantics = [], scalar_prefetch = 0 : i64, scratch_operands = 0 : i64, tpu.core_type = #tpu.core_type<tc>} {
    %get3A = arith.constant 0 : index
    %get3A_0 = arith.constant 0 : index
    %get3A_1 = arith.constant 0 : index
    %get3A_2 = vector.load %arg0[%get3A, %get3A_0, %get3A_1] : memref<2x10000x64xf32, #tpu.memory_space<vmem>>, vector<1x10000x64xf32>
    %get3A_3 = vector.shape_cast %get3A_2 : vector<1x10000x64xf32> to vector<10000x64xf32>
    %get3A_4 = arith.constant 1 : index
    %get3A_5 = arith.constant 0 : index
    %get3A_6 = arith.constant 0 : index
    %get3A_7 = vector.load %arg0[%get3A_4, %get3A_5, %get3A_6] : memref<2x10000x64xf32, #tpu.memory_space<vmem>>, vector<1x10000x64xf32>
    %get3A_8 = vector.shape_cast %get3A_7 : vector<1x10000x64xf32> to vector<10000x64xf32>
    %add3A = arith.addf %get3A_3, %get3A_8 : vector<10000x64xf32>
    %get3A_9 = arith.constant 0 : index
    %get3A_10 = arith.constant 0 : index
    %get3A_11 = vector.load %arg1[%get3A_9, %get3A_10] : memref<1x64xf32, #tpu.memory_space<vmem>>, vector<1x64xf32>
    %add3A_12 = vector.broadcast %get3A_11 : vector<1x64xf32> to vector<10000x64xf32>
    %add3A_13 = arith.addf %add3A, %add3A_12 : vector<10000x64xf32>
    %max3A = arith.constant 0.000000e+00 : f32
    %max3A_14 = vector.broadcast %max3A : f32 to vector<10000x64xf32>
    %max3A_15 = arith.maximumf %add3A_13, %max3A_14 : vector<10000x64xf32>
    %get3A_16 = arith.constant 0 : index
    %get3A_17 = arith.constant 0 : index
    %get3A_18 = vector.load %arg2[%get3A_16, %get3A_17] : memref<10000x64xf32, #tpu.memory_space<vmem>>, vector<10000x64xf32>
    %add3A_19 = arith.addf %max3A_15, %get3A_18 : vector<10000x64xf32>
    %get3A_20 = arith.constant 0 : index
    %get3A_21 = arith.constant 0 : index
    %get3A_22 = vector.load %arg3[%get3A_20, %get3A_21] : memref<1x64xf32, #tpu.memory_space<vmem>>, vector<1x64xf32>
    %get3A_23 = arith.constant 0 : index
    %get3A_24 = arith.constant 0 : index
    %get3A_25 = vector.load %arg4[%get3A_23, %get3A_24] : memref<1x64xf32, #tpu.memory_space<vmem>>, vector<1x64xf32>
    %reduce_sum3A = arith.constant dense<0.000000e+00> : vector<64xf32>
    %reduce_sum3A_26 = vector.multi_reduction <add>, %add3A_19, %reduce_sum3A [0] : vector<10000x64xf32> to vector<64xf32>
    %div3A = arith.constant 1.000000e+04 : f32
    %div3A_27 = vector.broadcast %div3A : f32 to vector<64xf32>
    %div3A_28 = arith.divf %reduce_sum3A_26, %div3A_27 : vector<64xf32>
    %jit3A = arith.constant 0 : i32
    %reduce_sum3A_29 = arith.constant dense<0.000000e+00> : vector<64xf32>
    %reduce_sum3A_30 = vector.multi_reduction <add>, %add3A_19, %reduce_sum3A_29 [0] : vector<10000x64xf32> to vector<64xf32>
    %broadcast_in_dim3A = vector.shape_cast %reduce_sum3A_30 : vector<64xf32> to vector<1x64xf32>
    %div3A_31 = arith.constant 1.000000e+04 : f32
    %div3A_32 = vector.broadcast %div3A_31 : f32 to vector<1x64xf32>
    %div3A_33 = arith.divf %broadcast_in_dim3A, %div3A_32 : vector<1x64xf32>
    %sub3A = vector.broadcast %div3A_33 : vector<1x64xf32> to vector<10000x64xf32>
    %sub3A_34 = arith.subf %add3A_19, %sub3A : vector<10000x64xf32>
    %square3A = arith.mulf %sub3A_34, %sub3A_34 : vector<10000x64xf32>
    %convert_element_type3A = arith.sitofp %jit3A : i32 to f32
    %sub3A_35 = arith.constant 1.000000e+04 : f32
    %sub3A_36 = arith.subf %sub3A_35, %convert_element_type3A : f32
    %reduce_sum3A_37 = arith.constant dense<0.000000e+00> : vector<64xf32>
    %reduce_sum3A_38 = vector.multi_reduction <add>, %square3A, %reduce_sum3A_37 [0] : vector<10000x64xf32> to vector<64xf32>
    %div3A_39 = vector.broadcast %sub3A_36 : f32 to vector<64xf32>
    %div3A_40 = arith.divf %reduce_sum3A_38, %div3A_39 : vector<64xf32>
    %gt3A = arith.constant 0.000000e+00 : f32
    %gt3A_41 = arith.cmpf ogt, %sub3A_36, %gt3A : f32
    %jit3A_42 = arith.constant 0x7FC00000 : f32
    %broadcast_in_dim3A_43 = vector.broadcast %jit3A_42 : f32 to vector<64xf32>
    %select_n3A = arith.select %gt3A_41, %div3A_40, %broadcast_in_dim3A_43 : vector<64xf32>
    %broadcast_in_dim3A_44 = vector.shape_cast %div3A_28 : vector<64xf32> to vector<1x64xf32>
    %sub3A_45 = vector.broadcast %broadcast_in_dim3A_44 : vector<1x64xf32> to vector<10000x64xf32>
    %sub3A_46 = arith.subf %add3A_19, %sub3A_45 : vector<10000x64xf32>
    %add3A_47 = arith.constant 9.99999974E-6 : f32
    %add3A_48 = vector.broadcast %add3A_47 : f32 to vector<64xf32>
    %add3A_49 = arith.addf %select_n3A, %add3A_48 : vector<64xf32>
    %sqrt3A = math.sqrt %add3A_49 : vector<64xf32>
    %broadcast_in_dim3A_50 = vector.shape_cast %sqrt3A : vector<64xf32> to vector<1x64xf32>
    %div3A_51 = vector.broadcast %broadcast_in_dim3A_50 : vector<1x64xf32> to vector<10000x64xf32>
    %div3A_52 = arith.divf %sub3A_46, %div3A_51 : vector<10000x64xf32>
    %mul3A = vector.broadcast %get3A_22 : vector<1x64xf32> to vector<10000x64xf32>
    %mul3A_53 = arith.mulf %div3A_52, %mul3A : vector<10000x64xf32>
    %add3A_54 = vector.broadcast %get3A_25 : vector<1x64xf32> to vector<10000x64xf32>
    %add3A_55 = arith.addf %mul3A_53, %add3A_54 : vector<10000x64xf32>
    %swap3A = arith.constant 0 : index
    %swap3A_56 = arith.constant 0 : index
    %swap3A_57 = vector.load %arg5[%swap3A, %swap3A_56] : memref<10000x64xf32, #tpu.memory_space<vmem>>, vector<10000x64xf32>
    tpu.vector_store %arg5[%swap3A, %swap3A_56], %add3A_55 {strides = array<i32>} : memref<10000x64xf32, #tpu.memory_space<vmem>>, vector<10000x64xf32>,
    return
  }
}

module attributes {stable_mosaic.version = 14 : i64} {
  func.func @_tc3_body(%arg0: memref<2x10000x64xf32, #tpu.memory_space<vmem>>, %arg1: memref<64x64xf32, #tpu.memory_space<vmem>>, %arg2: memref<1x64xf32, #tpu.memory_space<vmem>>, %arg3: memref<10000x64xf32, #tpu.memory_space<vmem>>, %arg4: memref<64x64xf32, #tpu.memory_space<vmem>>, %arg5: memref<1x64xf32, #tpu.memory_space<vmem>>, %arg6: memref<1x64xf32, #tpu.memory_space<vmem>>, %arg7: memref<1x64xf32, #tpu.memory_space<vmem>>, %arg8: memref<64x1xf32, #tpu.memory_space<vmem>>, %arg9: memref<1x1xf32, #tpu.memory_space<vmem>>, %arg10: memref<1x128xf32, #tpu.memory_space<vmem>>) attributes {dimension_semantics = [], scalar_prefetch = 0 : i64, scratch_operands = 0 : i64, tpu.core_type = #tpu.core_type<tc>} {
    %get3A = arith.constant 0 : index
    %get3A_0 = arith.constant 0 : index
    %get3A_1 = arith.constant 0 : index
    %get3A_2 = vector.load %arg0[%get3A, %get3A_0, %get3A_1] : memref<2x10000x64xf32, #tpu.memory_space<vmem>>, vector<1x10000x64xf32>
    %get3A_3 = vector.shape_cast %get3A_2 : vector<1x10000x64xf32> to vector<10000x64xf32>
    %get3A_4 = arith.constant 1 : index
    %get3A_5 = arith.constant 0 : index
    %get3A_6 = arith.constant 0 : index
    %get3A_7 = vector.load %arg0[%get3A_4, %get3A_5, %get3A_6] : memref<2x10000x64xf32, #tpu.memory_space<vmem>>, vector<1x10000x64xf32>
    %get3A_8 = vector.shape_cast %get3A_7 : vector<1x10000x64xf32> to vector<10000x64xf32>
    %add3A = arith.addf %get3A_3, %get3A_8 : vector<10000x64xf32>
    %get3A_9 = arith.constant 0 : index
    %get3A_10 = arith.constant 0 : index
    %get3A_11 = vector.load %arg1[%get3A_9, %get3A_10] : memref<64x64xf32, #tpu.memory_space<vmem>>, vector<64x64xf32>
    %dot_general3A = arith.constant dense<0.000000e+00> : vector<10000x64xf32>
    %dot_general3A_12 = tpu.matmul %add3A, %get3A_11, %dot_general3A {dimension_numbers = #tpu.dot_dimension_numbers<[1], [0], [0], [1], [0, 0, 1, 1], [], []>, transpose_lhs_hint = false} : vector<10000x64xf32>, vector<64x64xf32>, vector<10000x64xf32> -> vector<10000x64xf32>
    %get3A_13 = arith.constant 0 : index
    %get3A_14 = arith.constant 0 : index
    %get3A_15 = vector.load %arg2[%get3A_13, %get3A_14] : memref<1x64xf32, #tpu.memory_space<vmem>>, vector<1x64xf32>
    %add3A_16 = vector.broadcast %get3A_15 : vector<1x64xf32> to vector<10000x64xf32>
    %add3A_17 = arith.addf %dot_general3A_12, %add3A_16 : vector<10000x64xf32>
    %max3A = arith.constant 0.000000e+00 : f32
    %max3A_18 = vector.broadcast %max3A : f32 to vector<10000x64xf32>
    %max3A_19 = arith.maximumf %add3A_17, %max3A_18 : vector<10000x64xf32>
    %get3A_20 = arith.constant 0 : index
    %get3A_21 = arith.constant 0 : index
    %get3A_22 = vector.load %arg3[%get3A_20, %get3A_21] : memref<10000x64xf32, #tpu.memory_space<vmem>>, vector<10000x64xf32>
    %get3A_23 = arith.constant 0 : index
    %get3A_24 = arith.constant 0 : index
    %get3A_25 = vector.load %arg4[%get3A_23, %get3A_24] : memref<64x64xf32, #tpu.memory_space<vmem>>, vector<64x64xf32>
    %dot_general3A_26 = arith.constant dense<0.000000e+00> : vector<10000x64xf32>
    %dot_general3A_27 = tpu.matmul %get3A_22, %get3A_25, %dot_general3A_26 {dimension_numbers = #tpu.dot_dimension_numbers<[1], [0], [0], [1], [0, 0, 1, 1], [], []>, transpose_lhs_hint = false} : vector<10000x64xf32>, vector<64x64xf32>, vector<10000x64xf32> -> vector<10000x64xf32>
    %get3A_28 = arith.constant 0 : index
    %get3A_29 = arith.constant 0 : index
    %get3A_30 = vector.load %arg5[%get3A_28, %get3A_29] : memref<1x64xf32, #tpu.memory_space<vmem>>, vector<1x64xf32>
    %add3A_31 = vector.broadcast %get3A_30 : vector<1x64xf32> to vector<10000x64xf32>
    %add3A_32 = arith.addf %dot_general3A_27, %add3A_31 : vector<10000x64xf32>
    %max3A_33 = arith.constant 0.000000e+00 : f32
    %max3A_34 = vector.broadcast %max3A_33 : f32 to vector<10000x64xf32>
    %max3A_35 = arith.maximumf %add3A_32, %max3A_34 : vector<10000x64xf32>
    %add3A_36 = arith.addf %max3A_19, %max3A_35 : vector<10000x64xf32>
    %get3A_37 = arith.constant 0 : index
    %get3A_38 = arith.constant 0 : index
    %get3A_39 = vector.load %arg6[%get3A_37, %get3A_38] : memref<1x64xf32, #tpu.memory_space<vmem>>, vector<1x64xf32>
    %get3A_40 = arith.constant 0 : index
    %get3A_41 = arith.constant 0 : index
    %get3A_42 = vector.load %arg7[%get3A_40, %get3A_41] : memref<1x64xf32, #tpu.memory_space<vmem>>, vector<1x64xf32>
    %reduce_sum3A = arith.constant dense<0.000000e+00> : vector<64xf32>
    %reduce_sum3A_43 = vector.multi_reduction <add>, %add3A_36, %reduce_sum3A [0] : vector<10000x64xf32> to vector<64xf32>
    %div3A = arith.constant 1.000000e+04 : f32
    %div3A_44 = vector.broadcast %div3A : f32 to vector<64xf32>
    %div3A_45 = arith.divf %reduce_sum3A_43, %div3A_44 : vector<64xf32>
    %jit3A = arith.constant 0 : i32
    %reduce_sum3A_46 = arith.constant dense<0.000000e+00> : vector<64xf32>
    %reduce_sum3A_47 = vector.multi_reduction <add>, %add3A_36, %reduce_sum3A_46 [0] : vector<10000x64xf32> to vector<64xf32>
    %broadcast_in_dim3A = vector.shape_cast %reduce_sum3A_47 : vector<64xf32> to vector<1x64xf32>
    %div3A_48 = arith.constant 1.000000e+04 : f32
    %div3A_49 = vector.broadcast %div3A_48 : f32 to vector<1x64xf32>
    %div3A_50 = arith.divf %broadcast_in_dim3A, %div3A_49 : vector<1x64xf32>
    %sub3A = vector.broadcast %div3A_50 : vector<1x64xf32> to vector<10000x64xf32>
    %sub3A_51 = arith.subf %add3A_36, %sub3A : vector<10000x64xf32>
    %square3A = arith.mulf %sub3A_51, %sub3A_51 : vector<10000x64xf32>
    %convert_element_type3A = arith.sitofp %jit3A : i32 to f32
    %sub3A_52 = arith.constant 1.000000e+04 : f32
    %sub3A_53 = arith.subf %sub3A_52, %convert_element_type3A : f32
    %reduce_sum3A_54 = arith.constant dense<0.000000e+00> : vector<64xf32>
    %reduce_sum3A_55 = vector.multi_reduction <add>, %square3A, %reduce_sum3A_54 [0] : vector<10000x64xf32> to vector<64xf32>
    %div3A_56 = vector.broadcast %sub3A_53 : f32 to vector<64xf32>
    %div3A_57 = arith.divf %reduce_sum3A_55, %div3A_56 : vector<64xf32>
    %gt3A = arith.constant 0.000000e+00 : f32
    %gt3A_58 = arith.cmpf ogt, %sub3A_53, %gt3A : f32
    %jit3A_59 = arith.constant 0x7FC00000 : f32
    %broadcast_in_dim3A_60 = vector.broadcast %jit3A_59 : f32 to vector<64xf32>
    %select_n3A = arith.select %gt3A_58, %div3A_57, %broadcast_in_dim3A_60 : vector<64xf32>
    %broadcast_in_dim3A_61 = vector.shape_cast %div3A_45 : vector<64xf32> to vector<1x64xf32>
    %sub3A_62 = vector.broadcast %broadcast_in_dim3A_61 : vector<1x64xf32> to vector<10000x64xf32>
    %sub3A_63 = arith.subf %add3A_36, %sub3A_62 : vector<10000x64xf32>
    %add3A_64 = arith.constant 9.99999974E-6 : f32
    %add3A_65 = vector.broadcast %add3A_64 : f32 to vector<64xf32>
    %add3A_66 = arith.addf %select_n3A, %add3A_65 : vector<64xf32>
    %sqrt3A = math.sqrt %add3A_66 : vector<64xf32>
    %broadcast_in_dim3A_67 = vector.shape_cast %sqrt3A : vector<64xf32> to vector<1x64xf32>
    %div3A_68 = vector.broadcast %broadcast_in_dim3A_67 : vector<1x64xf32> to vector<10000x64xf32>
    %div3A_69 = arith.divf %sub3A_63, %div3A_68 : vector<10000x64xf32>
    %mul3A = vector.broadcast %get3A_39 : vector<1x64xf32> to vector<10000x64xf32>
    %mul3A_70 = arith.mulf %div3A_69, %mul3A : vector<10000x64xf32>
    %add3A_71 = vector.broadcast %get3A_42 : vector<1x64xf32> to vector<10000x64xf32>
    %add3A_72 = arith.addf %mul3A_70, %add3A_71 : vector<10000x64xf32>
    %get3A_73 = arith.constant 0 : index
    %get3A_74 = arith.constant 0 : index
    %get3A_75 = vector.load %arg8[%get3A_73, %get3A_74] : memref<64x1xf32, #tpu.memory_space<vmem>>, vector<64x1xf32>
    %dot_general3A_76 = arith.constant dense<0.000000e+00> : vector<10000x1xf32>
    %dot_general3A_77 = tpu.matmul %add3A_72, %get3A_75, %dot_general3A_76 {dimension_numbers = #tpu.dot_dimension_numbers<[1], [0], [0], [1], [0, 0, 1, 1], [], []>, transpose_lhs_hint = false} : vector<10000x64xf32>, vector<64x1xf32>, vector<10000x1xf32> -> vector<10000x1xf32>
    %get3A_78 = arith.constant 0 : index
    %get3A_79 = arith.constant 0 : index
    %get3A_80 = vector.load %arg9[%get3A_78, %get3A_79] : memref<1x1xf32, #tpu.memory_space<vmem>>, vector<1x1xf32>
    %add3A_81 = vector.broadcast %get3A_80 : vector<1x1xf32> to vector<10000x1xf32>
    %add3A_82 = arith.addf %dot_general3A_77, %add3A_81 : vector<10000x1xf32>
    %logistic3A = arith.negf %add3A_82 : vector<10000x1xf32>
    %logistic3A_83 = math.exp %logistic3A : vector<10000x1xf32>
    %logistic3A_84 = arith.constant 1.000000e+00 : f32
    %logistic3A_85 = vector.broadcast %logistic3A_84 : f32 to vector<10000x1xf32>
    %logistic3A_86 = arith.addf %logistic3A_85, %logistic3A_83 : vector<10000x1xf32>
    %logistic3A_87 = arith.divf %logistic3A_85, %logistic3A_86 : vector<10000x1xf32>
    %mul3A_88 = vector.broadcast %logistic3A_87 : vector<10000x1xf32> to vector<10000x64xf32>
    %mul3A_89 = arith.mulf %mul3A_88, %add3A_72 : vector<10000x64xf32>
    %reduce_sum3A_90 = arith.constant dense<0.000000e+00> : vector<64xf32>
    %reduce_sum3A_91 = vector.multi_reduction <add>, %mul3A_89, %reduce_sum3A_90 [0] : vector<10000x64xf32> to vector<64xf32>
    %broadcast_in_dim3A_92 = vector.shape_cast %reduce_sum3A_91 : vector<64xf32> to vector<1x64xf32>
    %swap3A = arith.constant 0 : index
    %swap3A_93 = arith.constant 0 : index
    %swap3A_94 = vector.load %arg10[%swap3A, %swap3A_93] : memref<1x128xf32, #tpu.memory_space<vmem>>, vector<1x64xf32>
    tpu.vector_store %arg10[%swap3A, %swap3A_93], %broadcast_in_dim3A_92 {strides = array<i32>} : memref<1x128xf32, #tpu.memory_space<vmem>>, vector<1x64xf32>,
    %reduce_max3A = arith.constant dense<0xFF800000> : vector<64xf32>
    %reduce_max3A_95 = vector.multi_reduction <maximumf>, %add3A_72, %reduce_max3A [0] : vector<10000x64xf32> to vector<64xf32>
    %broadcast_in_dim3A_96 = vector.shape_cast %reduce_max3A_95 : vector<64xf32> to vector<1x64xf32>
    %swap3A_97 = arith.constant 0 : index
    %swap3A_98 = arith.constant 64 : index
    %swap3A_99 = vector.load %arg10[%swap3A_97, %swap3A_98] : memref<1x128xf32, #tpu.memory_space<vmem>>, vector<1x64xf32>
    tpu.vector_store %arg10[%swap3A_97, %swap3A_98], %broadcast_in_dim3A_96 {strides = array<i32>} : memref<1x128xf32, #tpu.memory_space<vmem>>, vector<1x64xf32>,
    return
  }
}

</mosaic_0001>

<sc_bundles>
// kernel: kernel.10.cloned.1.call-start
scs
__scs_entry_jumppad:
0x0: {  	(pc) =	sbr.rel $0x88, $3  }
0x1: {  	(tag) =	ssettag $0x0;
	lr =	simm.s32 $0x1  }
0x2: {  	[smem:$0x3F91] =	sst lr;
	_ =	strace $0xD0000000  }
0x3: {  	_ = 	snop  }
0x4: {  	_ = 	snop  }
0x5: {  	_ = 	snop  }
0x6: {  	_ = 	snop  }
0x7: {  	_ = 	snop  }
__scs_overlays_trampoline_lowered:
0x8: {  	[smem:$0x3FA0] =	sst s0  }
0x9: {  	[smem:$0x3FA1] =	sst s1  }
0xa: {  	[smem:$0x3FA2] =	sst s2  }
0xb: {  	[smem:$0x3FA3] =	sst s3  }
0xc: {  	[smem:$0x3FA4] =	sst s4  }
0xd: {  	[smem:$0x3FA5] =	sst s5  }
0xe: {  	[smem:$0x3FA6] =	sst s6  }
0xf: {  	[smem:$0x3FA7] =	sst s7  }
0x10: {  	[smem:$0x3FA8] =	sst s8  }
0x11: {  	[smem:$0x3FA9] =	sst s9;
	s0 =	simm.s32 @!p0 $0x0  }
0x12: {  	s1 =	sld [smem:$0x3F8F];
	s0 =	simm.s32 @p0 $0x1  }
0x13: {  	[smem:$0x3FAA] =	sst s0;
	s0 =	simm.s32 @!p1 $0x0  }
0x14: {  	s2 =	sld [smem:$0x3F8E];
	s0 =	simm.s32 @p1 $0x1  }
0x15: {  	[smem:$0x3FAB] =	sst s0;
	s0 =	simm.s32 @!p2 $0x0  }
0x16: {  	s3 =	sld [smem:$0x3FDB];
	s0 =	simm.s32 @p2 $0x1  }
0x17: {  	s4 =	simm.s32 $0x1BF5;
	[smem:$0x3FAD] =	sst s0  }
0x18: {  	s0 =	sld [smem:$0x3F90];
	_ =	swait.ge [sflag:s4], $0x0  }
0x19: {  	s7 =	sld [smem:$0x3F91]  }
0x1a: {  	s8 =	sadd.s32 $0xFFFFE003, lr  }
0x1b: {  	s9 =	sadd.s32 $0xFFFFFEF7, lr;
	s5 =	simm.s32 $0xFFFFFFFF;
	p2 =	slt.u32 s8, $0xFFFFF086  }
0x1c: {  	p1 =	slt.u32 s9, $0xF7A;
	s5 =	simm.s32 @!p2 $0x0  }
0x1d: {  	s5 =	simm.s32 @p1 $0x1;
	p0 =	seq.s32 s7, s2  }
0x1e: {  	s7 =	smul.u32 @!p0 $0xF7A, s2;
	p2 =	seq.s32 @!p0 s5, $0x0  }
0x1f: {  	s9 =	smul.u32 $0xF7A, s1;
	s8 =	simm.s32 @!p0 $0x1BF5;
	p2 =	por !p2, p0  }
0x20: {  	[sflag:s8] =	ssyncset.s32 @!p0 $0xFFFFF086;
	s6 =	sadd.s32 @!p0 s3, s7;
	s7 =	simm.s32 @!p0 $0x108  }
0x21: {  	s3 =	sadd.s32 s3, s9;
	s6 =	sadd.s32 @!p0 $0x88, s6;
	s7 =	simm.s32 @p2 $0x1082  }
0x22: {  	[simem:s7], [sflag:s8] =	dma.local @!p0 [hbm:s6], $0xF7A  }
0x23: {  	s9 =	sor.u32 $0xD0000000, s2;
	s6 =	simm.s32 $0x108;
	_ =	swait.ge @!p0 [sflag:s8], $0x0  }
0x24: {  	s3 =	sadd.s32 $0x88, s3;
	s6 =	simm.s32 @!p1 $0x1082;
	[sflag:s4] =	ssyncset.s32 $0xFFFFF086  }
0x25: {  	[simem:s6], [sflag:s4] =	dma.local [hbm:s3], $0xF7A  }
0x26: {  	[smem:$0x3F91] =	sst s1;
	(tag) =	ssettag s2;
	_ =	strace s9  }
0x27: {  	s1 =	sld [smem:$0x3FA1]  }
0x28: {  	s2 =	sld [smem:$0x3FA2]  }
0x29: {  	s4 =	sld [smem:$0x3FA4]  }
0x2a: {  	p0 =	seq.s32 s5, $0x0;
	s5 =	sld [smem:$0x3FA5]  }
0x2b: {  	s6 =	sld [smem:$0x3FA6]  }
0x2c: {  	s7 =	sld [smem:$0x3FA7]  }
0x2d: {  	s3 =	simm.s32 $0x108;
	s8 =	sld [smem:$0x3FA8]  }
0x2e: {  	s3 =	simm.s32 @!p0 $0x1082;
	s9 =	sld [smem:$0x3FA9]  }
0x2f: {  	lr =	sadd.s32 s0, s3;
	s0 =	sld [smem:$0x3FA0]  }
0x30: {  	s3 =	sld [smem:$0x3FA3]  }
0x31: {  	[smem:$0x3FAC] =	sst s10  }
0x32: {  	s10 =	sld [smem:$0x3FAA];
	_ =	sdelay $0x3  }
0x33: {  	p0 =	seq.s32 s10, $0x1;
	s10 =	sld [smem:$0x3FAC];
	_ =	sdelay $0x3  }
0x34: {  	[smem:$0x3FAC] =	sst s10  }
0x35: {  	s10 =	sld [smem:$0x3FAB];
	_ =	sdelay $0x3  }
0x36: {  	p1 =	seq.s32 s10, $0x1;
	s10 =	sld [smem:$0x3FAC];
	_ =	sdelay $0x3  }
0x37: {  	[smem:$0x3FAC] =	sst s10  }
0x38: {  	s10 =	sld [smem:$0x3FAD]  }
0x39: {  	_ = 	snop;
	(pc) =	sbr.ind lr, $3  }
0x3a: {  	_ = 	snop  }
0x3b: {  	_ = 	snop  }
0x3c: {  	p2 =	seq.s32 s10, $0x1;
	s10 =	sld [smem:$0x3FAC]  }
0x3d: {  	_ =	shalt  }
0x3e: {  	_ =	shalt  }
0x3f: {  	_ =	shalt  }
0x40: {  	_ =	shalt  }
0x41: {  	_ =	shalt  }
0x42: {  	_ =	shalt  }
0x43: {  	_ =	shalt  }
0x44: {  	_ =	shalt  }
0x45: {  	_ =	shalt  }
0x46: {  	_ =	shalt  }
0x47: {  	_ =	shalt  }
0x48: {  	_ =	shalt  }
0x49: {  	_ =	shalt  }
0x4a: {  	_ =	shalt  }
0x4b: {  	_ =	shalt  }
0x4c: {  	_ =	shalt  }
0x4d: {  	_ =	shalt  }
0x4e: {  	_ =	shalt  }
0x4f: {  	_ =	shalt  }
0x50: {  	_ =	shalt  }
0x51: {  	_ =	shalt  }
0x52: {  	_ =	shalt  }
0x53: {  	_ =	shalt  }
0x54: {  	_ =	shalt  }
0x55: {  	_ =	shalt  }
0x56: {  	_ =	shalt  }
0x57: {  	_ =	shalt  }
0x58: {  	_ =	shalt  }
0x59: {  	_ =	shalt  }
0x5a: {  	_ =	shalt  }
0x5b: {  	_ =	shalt  }
0x5c: {  	_ =	shalt  }
0x5d: {  	_ =	shalt  }
0x5e: {  	_ =	shalt  }
0x5f: {  	_ =	shalt  }
0x60: {  	_ =	shalt  }
0x61: {  	_ =	shalt  }
0x62: {  	_ =	shalt  }
0x63: {  	_ =	shalt  }
0x64: {  	_ =	shalt  }
0x65: {  	_ =	shalt  }
0x66: {  	_ =	shalt  }
0x67: {  	_ =	shalt  }
0x68: {  	_ =	shalt  }
0x69: {  	_ =	shalt  }
0x6a: {  	_ =	shalt  }
0x6b: {  	_ =	shalt  }
0x6c: {  	_ =	shalt  }
0x6d: {  	_ =	shalt  }
0x6e: {  	_ =	shalt  }
0x6f: {  	_ =	shalt  }
0x70: {  	_ =	shalt  }
0x71: {  	_ =	shalt  }
0x72: {  	_ =	shalt  }
0x73: {  	_ =	shalt  }
0x74: {  	_ =	shalt  }
0x75: {  	_ =	shalt  }
0x76: {  	_ =	shalt  }
0x77: {  	_ =	shalt  }
0x78: {  	_ =	shalt  }
0x79: {  	_ =	shalt  }
0x7a: {  	_ =	shalt  }
0x7b: {  	_ =	shalt  }
0x7c: {  	_ =	shalt  }
0x7d: {  	_ =	shalt  }
0x7e: {  	_ =	shalt  }
0x7f: {  	_ =	shalt  }
0x80: {  	_ =	shalt  }
0x81: {  	_ =	shalt  }
0x82: {  	_ =	shalt  }
0x83: {  	_ =	shalt  }
0x84: {  	_ =	shalt  }
0x85: {  	_ =	shalt  }
0x86: {  	_ =	shalt  }
0x87: {  	_ =	shalt  }
.Lfunc_end0:
.L_simem_size_0:
called_computation.1_lowered:
.L_overlay_start_0:
0x88: {  	s2 =	sld [smem:$0x3FD9]  }
0x89: {  	s3 =	sld [smem:$0x3FFE];
	_ =	sdelay $0x1  }
0x8a: {  	s1 =	srdreg.scid  }
0x8b: {  	s0 =	sand.u32 $0x1, s1  }
0x8c: {  	s16 =	sshll.u32 s0, $0xA;
	s2 =	sadd.s32 s3, s2  }
0x8d: {  	s2 =	sadd.s32 s2, s16  }
0x8e: {  	[smem:$0x3FB8] =	sst s2  }
0x8f: {  	_ = 	snop  }
0x90: {  	(tm) =	ssettm $0x1  }
0x91: {  	s17 =	sld [smem:$0x3FFB];
	_ =	sdelay $0x3  }
0x92: {  	_ =	strace s17  }
0x93: {  	s2 =	sld [smem:$0x3FFC];
	_ =	sdelay $0x3  }
0x94: {  	_ =	strace s2  }
0x95: {  	s2 =	sld [smem:$0x3FFD];
	_ =	sdelay $0x3  }
0x96: {  	_ =	strace s2  }
0x97: {  	_ =	strace $0x8FFFFFFF  }
0x98: {  	s18 =	sld [smem:$0x3FDB];
	_ =	sdelay $0x1  }
0x99: {  	s19 =	simm.s32 $_scs_section_size  }
0x9a: {  	s4 =	simm.s32 $_size__tile_overlayer_lowered;
	s5 =	simm.s32 $_tile_overlayer_lowered  }
0x9b: {  	s22 =	simm.s32 $0x1BFF;
	s21 =	sshll.u32 s5, $0x1;
	s2 =	sadd.s32 s19, s18  }
0x9c: {  	s6 =	simm.s32 $0x0;
	s20 =	sshll.u32 s4, $0x1;
	s4 =	sadd.s32 s21, s2  }
0x9d: {  	[timem:s6], [sflag:s22] =	dma.local [hbm:s4], s20  }
0x9e: {  	_ =	swait.ge [sflag:s22], s20  }
0x9f: {  	s3 =	ssub.s32 $0x0, s20;
	[sflag:s22] =	ssyncset.done $0x0  }
0xa0: {  	[sflag:s22] =	ssyncadd.s32 s3;
	_ =	sdelay $0x1  }
0xa1: {  	s23 =	simm.s32 $0x1B8B  }
0xa2: {  	_ =	swait.ge [sflag:s23], $0x1  }
0xa3: {  	[sflag:s23] =	ssyncset.done $0x0  }
0xa4: {  	s25 =	simm.s32 $0x1B8E;
	s24 =	sld [smem:$0x3FFE];
	[sflag:s23] =	ssyncadd.s32 $0xFFFFFFFF  }
0xa5: {  	s26 =	simm.s32 $execute0_lowered;
	[smem:$0x3FD2] =	sst s25  }
0xa6: {  	s4 =	sshll.u32 s26, $0x1;
	_ =	strace $0x80000049;
	[dreg:$0x1] =	wrdreg $0xFFFFFFFF  }
0xa7: {  	s28 =	simm.s32 $_size_execute0_lowered;
	s2 =	sadd.s32 s2, s4;
	[dreg:$0x0] =	wrdreg $0x0  }
0xa8: {  	s4 =	sshll.u32 s28, $0x1;
	[dreg:$0x2] =	wrdreg s2  }
0xa9: {  	[dreg:$0x3] =	wrdreg s4  }
0xaa: {  	[dreg:$0x4] =	wrdreg $0xC0  }
0xab: {  	_ =	task [dreg:s6], $0x5FFFF  }
0xac: {  	[dreg:$0x1] =	wrdreg $0xFFFFFFFF  }
0xad: {  	[dreg:$0x0] =	wrdreg $0x60  }
0xae: {  	[dreg:$0x2] =	wrdreg s24  }
0xaf: {  	[dreg:$0x3] =	wrdreg $0x6F000  }
0xb0: {  	[dreg:$0x4] =	wrdreg $0x9  }
0xb1: {  	_ =	task.clear_ibuf [dreg:s6], $0x5FFFF;
	_ =	strace $0x90000049  }
0xb2: {  	s29 =	simm.s32 $0x9;
	_ =	strace $0x8000004B  }
0xb3: {  	_ =	swait.ge [sflag:s29], $0x1  }
0xb4: {  	[sflag:s29] =	ssyncadd.s32 $0xFFFFFFFF  }
0xb5: {  	_ =	strace $0x9000004B  }
0xb6: {  	_ =	sfence  }
0xb7: {  	s30 =	sld [smem:$0x0];
	_ =	sdelay $0x2  }
0xb8: {  	s31 =	sshll.u32 s1, $0xD;
	s1 =	sshrl.u32 s1, $0x2  }
0xb9: {  	s3 =	sand.u32 $0x4000, s31;
	s1 =	sadd.s32 s1, s30  }
0xba: {  	s0 =	sor.u32 s3, s0;
	s1 =	sshll.u32 s1, $0x11  }
0xbb: {  	s0 =	sor.u32 s1, s0  }
0xbc: {  	s0 =	sadd.s32 $0x8F2B, s0  }
0xbd: {  	[sflag:s0] =	ssyncadd.remote.s32 $0x1  }
0xbe: {  	_ =	sfence.sel $0xFFFF  }
0xbf: {  	[dreg:$0x0] =	wrdreg $0xFFFFFFFF;
	(pc) =	sbr.abs _section_cstart, $3  }
0xc0: {  	[dreg:$0x1] =	wrdreg $0xFFFFFFFF  }
0xc1: {  	_ =	task.clear_ibuf [dreg:s6], $0x2FFFF;
	_ =	strace $0x9FFFFFFF  }
0xc2: {  	(tm) =	ssettm $0x7FFFFFFF  }
0xc3: {  	_ =	shalt  }
tec
execute0_lowered:
.L_overlay_start_1:
0x0: {  	(tag) =	ssettag $0x1  }
0x1: {  	s1 =	srdreg.scid;
	s6 =	rddreg [dreg:$0x0]  }
0x2: {  	s0 =	stileid.u32;
	s2 =	rddreg [dreg:$0x1];
	s3 =	simm.s32 $0x0  }
0x3: {  	s13 =	simm.s32 $0x2;
	s14 =	simm.s32 $0x2780;
	s15 =	simm.s32 $0x80  }
0x4: {  	s16 =	simm.s32 $0x4F00;
	s17 =	simm.s32 $0x1;
	s20 =	simm.s32 $0x0  }
0x5: {  	s7 =	sand.u32 $0x1, s1;
	s26 =	sshll.u32 s0, $0x1;
	s1 =	rddreg [dreg:$0x2]  }
0x6: {  	[smem:$0x7FF] =	sst s3;
	s10 =	smul.u32 $0x9E00, s0;
	s11 =	sadd.s32 $0x2A600, s6  }
0x7: {  	s29 =	sshll.u32 s0, $0x6;
	s18 =	sadd.s32 $0x94200, s2;
	p0 =	seq.s32 s0, $0xF  }
0x8: {  	s4 =	sor.u32 s7, s26;
	s9 =	ssub.s32 $0x2, s7;
	s7 =	smul.u32 $0x9C400, s7  }
0x9: {  	_ =	strace $0x8000004A;
	s18 =	sshrl.u32 @p0 s18, $0x3;
	s5 =	smul.u32 $0x4F0, s4  }
0xa: {  	s4 =	sadd.s32 $0x1C00, s6;
	s28 =	sshrl.u32 s9, $0x1;
	s19 =	sadd.s32 s10, s2  }
0xb: {  	s12 =	ssub.s32 s9, s28;
	s30 =	sadd.s32 s10, s7;
	s31 =	sshrl.u32 s7, $0x3  }
0xc: {  	s8 =	sadd.s32 s5, s6;
	s5 =	sadd.s32 $0x29200, s6;
	s6 =	sor.u32 $0x1C02, s29  }
0xd: {  	s9 =	sshrl.u32 s30, $0x3;
	s10 =	sadd.s32 s11, s31;
	s7 =	sadd.s32 $0x1F400, s8  }
0xe: {  	s8 =	sadd.s32 $0x15600, s8;
	s9 =	sadd.s32 s11, s9;
	s10 =	sadd.s32 $0x12840, s10  }
0xf: {  	s11 =	smax.u32 s12, $0x1;
	s12 =	sshrl.u32 s19, $0x3;
	s19 =	sshrl.u32 @!p0 s19, $0x3  }
.LBB2_1:
0x10: {  	[spmem:s12], [sflag:s6] =	dma.local [hbm:s5], $0x13C0  }
0x11: {  	_ =	swait.ge [sflag:s13], $0x13C0  }
0x12: {  	[sflag:s13] =	ssyncset.done $0x0  }
0x13: {  	[sflag:s13] =	ssyncadd.s32 $0xFFFFEC40  }
0x14: {  	[tilespmem:s3], [sflag:$0x2] =	stream.linear.gather [hbm4b:s7+s3], $0x2780, $0x38;
	[tilespmem:$0x10D00] =	vst v63  }
0x15: {  	_ =	swait.ge [sflag:s13], $0x2780  }
0x16: {  	[sflag:s13] =	ssyncset.done $0x0  }
0x17: {  	[sflag:s13] =	ssyncadd.s32 $0xFFFFD880  }
0x18: {  	[tilespmem:s14], [sflag:$0x2] =	stream.linear.gather [hbm4b:s8+s3], $0x2780, $0x38;
	[tilespmem:$0x10D00] =	vst v63  }
0x19: {  	_ =	swait.ge [sflag:s13], $0x2780  }
0x1a: {  	[sflag:s13] =	ssyncset.done $0x0  }
0x1b: {  	[sflag:s13] =	ssyncadd.s32 $0xFFFFD880  }
0x1c: {  	s21 =	simm.s32 $0x0;
	[bflag:$0x0] =	sbarrier.arrive $0xFFFF  }
0x1d: {  	[tilespmem:s16], [sflag:$0x1] =	stream.indirect.gather [hbm4b:s4+s15], $0x40, s21, s15, $0xb8;
	[tilespmem:$0x10D00] =	vst v63  }
0x1e: {  	_ =	swait.ge [sflag:s17], $0x2000  }
0x1f: {  	[sflag:s17] =	ssyncset.done $0x0  }
0x20: {  	s31 =	simm.s32 $0x2780;
	[sflag:s17] =	ssyncadd.s32 $0xFFFFE000  }
0x21: {  	[spmem:s2] =	stream.indirect.scatter.add.f32 [tilespmem:s16], [sflag:$0x2], $0x40, s31, s15, $0xb8;
	[tilespmem:$0x10D00] =	vst v63  }
0x22: {  	_ =	swait.ge [sflag:s13], $0x2000  }
0x23: {  	s22 =	simm.s32 $0x400;
	s21 =	simm.s32 $0x200;
	[sflag:s13] =	ssyncset.done $0x0  }
.LBB2_2:
0x24: {  	s23 =	sshra.s32 s21, $0x2  }
0x25: {  	[sflag:s13] =	ssyncadd.s32 $0xFFFFE000;
	s21 =	smov.u32 s22;
	s24 =	sadd.s32 $0x200, s22  }
0x26: {  	[tilespmem:s16], [sflag:$0x1] =	stream.indirect.gather [hbm4b:s4+s15], $0x40, s23, s15, $0xb8;
	[tilespmem:$0x10D00] =	vst v63  }
0x27: {  	p1 =	sne.s32 s22, $0x9C00;
	_ =	swait.ge [sflag:s17], $0x2000  }
.Ltmp0:
0x28: {  	[sflag:s17] =	ssyncset.done $0x0;
	(pc) =	sbr.rel @p1 .LBB2_2-.Ltmp0, $4  }
0x29: {  	s22 =	sadd.s32 $0x2780, s23;
	[sflag:s17] =	ssyncadd.s32 $0xFFFFE000  }
0x2a: {  	[spmem:s2] =	stream.indirect.scatter.add.f32 [tilespmem:s16], [sflag:$0x2], $0x40, s22, s15, $0xb8;
	[tilespmem:$0x10D00] =	vst v63  }
0x2b: {  	_ =	swait.ge [sflag:s13], $0x2000  }
0x2c: {  	s22 =	smov.u32 s24;
	[sflag:s13] =	ssyncset.done $0x0  }
0x2d: {  	s21 =	sshra.s32 s21, $0x2;
	[sflag:s13] =	ssyncadd.s32 $0xFFFFE000  }
0x2e: {  	[tilespmem:s16], [sflag:$0x1] =	stream.indirect.gather [hbm4b:s4+s15], $0x40, s21, s15, $0xb8;
	[tilespmem:$0x10D00] =	vst v63  }
0x2f: {  	_ =	swait.ge [sflag:s17], $0x2000  }
0x30: {  	[sflag:s17] =	ssyncset.done $0x0  }
0x31: {  	s21 =	sadd.s32 $0x2780, s21;
	[sflag:s17] =	ssyncadd.s32 $0xFFFFE000  }
0x32: {  	[spmem:s2] =	stream.indirect.scatter.add.f32 [tilespmem:s16], [sflag:$0x2], $0x40, s21, s15, $0xb8;
	[tilespmem:$0x10D00] =	vst v63  }
0x33: {  	_ =	swait.ge [sflag:s13], $0x2000  }
0x34: {  	[sflag:s13] =	ssyncset.done $0x0  }
0x35: {  	[sflag:s13] =	ssyncadd.s32 $0xFFFFE000  }
0x36: {  	s21 =	simm.s32 @p0 $0x2;
	[bflag:$0x0] =	sbarrier.arrive $0xFFFF  }
0x37: {  	[hbm:s10], [sflag:s6] =	dma.local @p0 [spmem:s18], $0x1040  }
0x38: {  	s20 =	sadd.s32 $0x1, s20;
	_ =	swait.ge @p0 [sflag:s21], $0x1040  }
0x39: {  	p1 =	sne.s32 s20, s11;
	[sflag:s21] =	ssyncset.done @p0 $0x0  }
.Ltmp1:
0x3a: {  	[sflag:s21] =	ssyncadd.s32 @p0 $0xFFFFEFC0;
	s21 =	simm.s32 @!p0 $0x2;
	(pc) =	sbr.rel @p1 .LBB2_1-.Ltmp1, $4  }
0x3b: {  	[hbm:s9], [sflag:s6] =	dma.local @!p0 [spmem:s19], $0x13C0  }
0x3c: {  	_ =	swait.ge @!p0 [sflag:s21], $0x13C0  }
0x3d: {  	[sflag:s21] =	ssyncset.done @!p0 $0x0  }
0x3e: {  	[sflag:s21] =	ssyncadd.s32 @!p0 $0xFFFFEC40  }
0x3f: {  	_ =	sfence.sel $0x180000  }
0x40: {  	[bflag:$0x0] =	sbarrier.arrive $0xFFFF  }
0x41: {  	p0 =	sne.s32 s0, $0x0;
	_ =	strace $0x9000004A  }
0x42: {  	s0 =	sadd.s32 @!p0 $0x100000, s1;
	[bflag:$0x2] =	sbarrier.arrive $0xFFFF  }
0x43: {  	[sflag:s0] =	ssyncadd.tile.s32 @!p0 $0x1;
	_ =	shalt  }
.Lfunc_end2:
_tile_overlayer_lowered:
.L_overlay_start_2:
0x44: {  	(tag) =	ssettag $0x2  }
0x45: {  	s0 =	rddreg [dreg:$0x0];
	s2 =	stileid.u32  }
0x46: {  	s1 =	rddreg [dreg:$0x1];
	p0 =	sne.s32 s2, $0x0  }
0x47: {  	s3 =	rddreg [dreg:$0x2];
	[bflag:$0x3] =	sbarrier.arrive $0xFFFF;
	s2 =	simm.s32 @!p0 $0x1C02  }
0x48: {  	[timem:s3], [sflag:s2] =	dma.local @!p0 [hbm:s0], s1  }
0x49: {  	s0 =	simm.s32 @!p0 $0x2  }
0x4a: {  	_ =	swait.ge @!p0 [sflag:s0], s1  }
0x4b: {  	s1 =	ssub.s32 @!p0 $0x0, s1;
	[sflag:s0] =	ssyncset.done @!p0 $0x0  }
0x4c: {  	[sflag:s0] =	ssyncadd.s32 @!p0 s1  }
0x4d: {  	[bflag:$0x3] =	sbarrier.arrive $0xFFFF  }
0x4e: {  	_ =	shalt  }

// kernel: kernel.7.cloned.1.call-start
scs
__scs_entry_jumppad:
0x0: {  	(pc) =	sbr.rel $0x88, $3  }
0x1: {  	(tag) =	ssettag $0x0;
	lr =	simm.s32 $0x1  }
0x2: {  	[smem:$0x3F91] =	sst lr;
	_ =	strace $0xD0000000  }
0x3: {  	_ = 	snop  }
0x4: {  	_ = 	snop  }
0x5: {  	_ = 	snop  }
0x6: {  	_ = 	snop  }
0x7: {  	_ = 	snop  }
__scs_overlays_trampoline_lowered:
0x8: {  	[smem:$0x3FA0] =	sst s0  }
0x9: {  	[smem:$0x3FA1] =	sst s1  }
0xa: {  	[smem:$0x3FA2] =	sst s2  }
0xb: {  	[smem:$0x3FA3] =	sst s3  }
0xc: {  	[smem:$0x3FA4] =	sst s4  }
0xd: {  	[smem:$0x3FA5] =	sst s5  }
0xe: {  	[smem:$0x3FA6] =	sst s6  }
0xf: {  	[smem:$0x3FA7] =	sst s7  }
0x10: {  	[smem:$0x3FA8] =	sst s8  }
0x11: {  	[smem:$0x3FA9] =	sst s9;
	s0 =	simm.s32 @!p0 $0x0  }
0x12: {  	s1 =	sld [smem:$0x3F8F];
	s0 =	simm.s32 @p0 $0x1  }
0x13: {  	[smem:$0x3FAA] =	sst s0;
	s0 =	simm.s32 @!p1 $0x0  }
0x14: {  	s2 =	sld [smem:$0x3F8E];
	s0 =	simm.s32 @p1 $0x1  }
0x15: {  	[smem:$0x3FAB] =	sst s0;
	s0 =	simm.s32 @!p2 $0x0  }
0x16: {  	s3 =	sld [smem:$0x3FDB];
	s0 =	simm.s32 @p2 $0x1  }
0x17: {  	s4 =	simm.s32 $0x1BF5;
	[smem:$0x3FAD] =	sst s0  }
0x18: {  	s0 =	sld [smem:$0x3F90];
	_ =	swait.ge [sflag:s4], $0x0  }
0x19: {  	s7 =	sld [smem:$0x3F91]  }
0x1a: {  	s8 =	sadd.s32 $0xFFFFE003, lr  }
0x1b: {  	s9 =	sadd.s32 $0xFFFFFEF7, lr;
	s5 =	simm.s32 $0xFFFFFFFF;
	p2 =	slt.u32 s8, $0xFFFFF086  }
0x1c: {  	p1 =	slt.u32 s9, $0xF7A;
	s5 =	simm.s32 @!p2 $0x0  }
0x1d: {  	s5 =	simm.s32 @p1 $0x1;
	p0 =	seq.s32 s7, s2  }
0x1e: {  	s7 =	smul.u32 @!p0 $0xF7A, s2;
	p2 =	seq.s32 @!p0 s5, $0x0  }
0x1f: {  	s9 =	smul.u32 $0xF7A, s1;
	s8 =	simm.s32 @!p0 $0x1BF5;
	p2 =	por !p2, p0  }
0x20: {  	[sflag:s8] =	ssyncset.s32 @!p0 $0xFFFFF086;
	s6 =	sadd.s32 @!p0 s3, s7;
	s7 =	simm.s32 @!p0 $0x108  }
0x21: {  	s3 =	sadd.s32 s3, s9;
	s6 =	sadd.s32 @!p0 $0x88, s6;
	s7 =	simm.s32 @p2 $0x1082  }
0x22: {  	[simem:s7], [sflag:s8] =	dma.local @!p0 [hbm:s6], $0xF7A  }
0x23: {  	s9 =	sor.u32 $0xD0000000, s2;
	s6 =	simm.s32 $0x108;
	_ =	swait.ge @!p0 [sflag:s8], $0x0  }
0x24: {  	s3 =	sadd.s32 $0x88, s3;
	s6 =	simm.s32 @!p1 $0x1082;
	[sflag:s4] =	ssyncset.s32 $0xFFFFF086  }
0x25: {  	[simem:s6], [sflag:s4] =	dma.local [hbm:s3], $0xF7A  }
0x26: {  	[smem:$0x3F91] =	sst s1;
	(tag) =	ssettag s2;
	_ =	strace s9  }
0x27: {  	s1 =	sld [smem:$0x3FA1]  }
0x28: {  	s2 =	sld [smem:$0x3FA2]  }
0x29: {  	s4 =	sld [smem:$0x3FA4]  }
0x2a: {  	p0 =	seq.s32 s5, $0x0;
	s5 =	sld [smem:$0x3FA5]  }
0x2b: {  	s6 =	sld [smem:$0x3FA6]  }
0x2c: {  	s7 =	sld [smem:$0x3FA7]  }
0x2d: {  	s3 =	simm.s32 $0x108;
	s8 =	sld [smem:$0x3FA8]  }
0x2e: {  	s3 =	simm.s32 @!p0 $0x1082;
	s9 =	sld [smem:$0x3FA9]  }
0x2f: {  	lr =	sadd.s32 s0, s3;
	s0 =	sld [smem:$0x3FA0]  }
0x30: {  	s3 =	sld [smem:$0x3FA3]  }
0x31: {  	[smem:$0x3FAC] =	sst s10  }
0x32: {  	s10 =	sld [smem:$0x3FAA];
	_ =	sdelay $0x3  }
0x33: {  	p0 =	seq.s32 s10, $0x1;
	s10 =	sld [smem:$0x3FAC];
	_ =	sdelay $0x3  }
0x34: {  	[smem:$0x3FAC] =	sst s10  }
0x35: {  	s10 =	sld [smem:$0x3FAB];
	_ =	sdelay $0x3  }
0x36: {  	p1 =	seq.s32 s10, $0x1;
	s10 =	sld [smem:$0x3FAC];
	_ =	sdelay $0x3  }
0x37: {  	[smem:$0x3FAC] =	sst s10  }
0x38: {  	s10 =	sld [smem:$0x3FAD]  }
0x39: {  	_ = 	snop;
	(pc) =	sbr.ind lr, $3  }
0x3a: {  	_ = 	snop  }
0x3b: {  	_ = 	snop  }
0x3c: {  	p2 =	seq.s32 s10, $0x1;
	s10 =	sld [smem:$0x3FAC]  }
0x3d: {  	_ =	shalt  }
0x3e: {  	_ =	shalt  }
0x3f: {  	_ =	shalt  }
0x40: {  	_ =	shalt  }
0x41: {  	_ =	shalt  }
0x42: {  	_ =	shalt  }
0x43: {  	_ =	shalt  }
0x44: {  	_ =	shalt  }
0x45: {  	_ =	shalt  }
0x46: {  	_ =	shalt  }
0x47: {  	_ =	shalt  }
0x48: {  	_ =	shalt  }
0x49: {  	_ =	shalt  }
0x4a: {  	_ =	shalt  }
0x4b: {  	_ =	shalt  }
0x4c: {  	_ =	shalt  }
0x4d: {  	_ =	shalt  }
0x4e: {  	_ =	shalt  }
0x4f: {  	_ =	shalt  }
0x50: {  	_ =	shalt  }
0x51: {  	_ =	shalt  }
0x52: {  	_ =	shalt  }
0x53: {  	_ =	shalt  }
0x54: {  	_ =	shalt  }
0x55: {  	_ =	shalt  }
0x56: {  	_ =	shalt  }
0x57: {  	_ =	shalt  }
0x58: {  	_ =	shalt  }
0x59: {  	_ =	shalt  }
0x5a: {  	_ =	shalt  }
0x5b: {  	_ =	shalt  }
0x5c: {  	_ =	shalt  }
0x5d: {  	_ =	shalt  }
0x5e: {  	_ =	shalt  }
0x5f: {  	_ =	shalt  }
0x60: {  	_ =	shalt  }
0x61: {  	_ =	shalt  }
0x62: {  	_ =	shalt  }
0x63: {  	_ =	shalt  }
0x64: {  	_ =	shalt  }
0x65: {  	_ =	shalt  }
0x66: {  	_ =	shalt  }
0x67: {  	_ =	shalt  }
0x68: {  	_ =	shalt  }
0x69: {  	_ =	shalt  }
0x6a: {  	_ =	shalt  }
0x6b: {  	_ =	shalt  }
0x6c: {  	_ =	shalt  }
0x6d: {  	_ =	shalt  }
0x6e: {  	_ =	shalt  }
0x6f: {  	_ =	shalt  }
0x70: {  	_ =	shalt  }
0x71: {  	_ =	shalt  }
0x72: {  	_ =	shalt  }
0x73: {  	_ =	shalt  }
0x74: {  	_ =	shalt  }
0x75: {  	_ =	shalt  }
0x76: {  	_ =	shalt  }
0x77: {  	_ =	shalt  }
0x78: {  	_ =	shalt  }
0x79: {  	_ =	shalt  }
0x7a: {  	_ =	shalt  }
0x7b: {  	_ =	shalt  }
0x7c: {  	_ =	shalt  }
0x7d: {  	_ =	shalt  }
0x7e: {  	_ =	shalt  }
0x7f: {  	_ =	shalt  }
0x80: {  	_ =	shalt  }
0x81: {  	_ =	shalt  }
0x82: {  	_ =	shalt  }
0x83: {  	_ =	shalt  }
0x84: {  	_ =	shalt  }
0x85: {  	_ =	shalt  }
0x86: {  	_ =	shalt  }
0x87: {  	_ =	shalt  }
.Lfunc_end0:
.L_simem_size_0:
called_computation_lowered:
.L_overlay_start_0:
0x88: {  	s2 =	sld [smem:$0x3FD9]  }
0x89: {  	s3 =	sld [smem:$0x3FFE];
	_ =	sdelay $0x1  }
0x8a: {  	s1 =	srdreg.scid  }
0x8b: {  	s0 =	sand.u32 $0x1, s1  }
0x8c: {  	s16 =	sshll.u32 s0, $0xA;
	s2 =	sadd.s32 s3, s2  }
0x8d: {  	s2 =	sadd.s32 s2, s16  }
0x8e: {  	[smem:$0x3FB8] =	sst s2  }
0x8f: {  	_ = 	snop  }
0x90: {  	(tm) =	ssettm $0x1  }
0x91: {  	s17 =	sld [smem:$0x3FFB];
	_ =	sdelay $0x3  }
0x92: {  	_ =	strace s17  }
0x93: {  	s2 =	sld [smem:$0x3FFC];
	_ =	sdelay $0x3  }
0x94: {  	_ =	strace s2  }
0x95: {  	s2 =	sld [smem:$0x3FFD];
	_ =	sdelay $0x3  }
0x96: {  	_ =	strace s2  }
0x97: {  	_ =	strace $0x8FFFFFFF  }
0x98: {  	s18 =	sld [smem:$0x3FDB];
	_ =	sdelay $0x1  }
0x99: {  	s19 =	simm.s32 $_scs_section_size  }
0x9a: {  	s4 =	simm.s32 $_size__tile_overlayer_lowered;
	s5 =	simm.s32 $_tile_overlayer_lowered  }
0x9b: {  	s22 =	simm.s32 $0x1BFF;
	s21 =	sshll.u32 s5, $0x1;
	s2 =	sadd.s32 s19, s18  }
0x9c: {  	s6 =	simm.s32 $0x0;
	s20 =	sshll.u32 s4, $0x1;
	s4 =	sadd.s32 s21, s2  }
0x9d: {  	[timem:s6], [sflag:s22] =	dma.local [hbm:s4], s20  }
0x9e: {  	_ =	swait.ge [sflag:s22], s20  }
0x9f: {  	s3 =	ssub.s32 $0x0, s20;
	[sflag:s22] =	ssyncset.done $0x0  }
0xa0: {  	[sflag:s22] =	ssyncadd.s32 s3;
	_ =	sdelay $0x1  }
0xa1: {  	s23 =	simm.s32 $0x1B8B  }
0xa2: {  	_ =	swait.ge [sflag:s23], $0x1  }
0xa3: {  	[sflag:s23] =	ssyncset.done $0x0  }
0xa4: {  	s25 =	simm.s32 $0x1B8E;
	s24 =	sld [smem:$0x3FFE];
	[sflag:s23] =	ssyncadd.s32 $0xFFFFFFFF  }
0xa5: {  	s26 =	simm.s32 $execute0_lowered;
	[smem:$0x3FD2] =	sst s25  }
0xa6: {  	s4 =	sshll.u32 s26, $0x1;
	_ =	strace $0x80000046;
	[dreg:$0x1] =	wrdreg $0xFFFFFFFF  }
0xa7: {  	s28 =	simm.s32 $_size_execute0_lowered;
	s2 =	sadd.s32 s2, s4;
	[dreg:$0x0] =	wrdreg $0x0  }
0xa8: {  	s4 =	sshll.u32 s28, $0x1;
	[dreg:$0x2] =	wrdreg s2  }
0xa9: {  	[dreg:$0x3] =	wrdreg s4  }
0xaa: {  	[dreg:$0x4] =	wrdreg $0xC0  }
0xab: {  	_ =	task [dreg:s6], $0x5FFFF  }
0xac: {  	[dreg:$0x1] =	wrdreg $0xFFFFFFFF  }
0xad: {  	[dreg:$0x0] =	wrdreg $0x60  }
0xae: {  	[dreg:$0x2] =	wrdreg s24  }
0xaf: {  	[dreg:$0x3] =	wrdreg $0x6F000  }
0xb0: {  	[dreg:$0x4] =	wrdreg $0x9  }
0xb1: {  	_ =	task.clear_ibuf [dreg:s6], $0x5FFFF;
	_ =	strace $0x90000046  }
0xb2: {  	s29 =	simm.s32 $0x9;
	_ =	strace $0x80000048  }
0xb3: {  	_ =	swait.ge [sflag:s29], $0x1  }
0xb4: {  	[sflag:s29] =	ssyncadd.s32 $0xFFFFFFFF  }
0xb5: {  	_ =	strace $0x90000048  }
0xb6: {  	_ =	sfence  }
0xb7: {  	s30 =	sld [smem:$0x0];
	_ =	sdelay $0x2  }
0xb8: {  	s31 =	sshll.u32 s1, $0xD;
	s1 =	sshrl.u32 s1, $0x2  }
0xb9: {  	s3 =	sand.u32 $0x4000, s31;
	s1 =	sadd.s32 s1, s30  }
0xba: {  	s0 =	sor.u32 s3, s0;
	s1 =	sshll.u32 s1, $0x11  }
0xbb: {  	s0 =	sor.u32 s1, s0  }
0xbc: {  	s0 =	sadd.s32 $0x8F2B, s0  }
0xbd: {  	[sflag:s0] =	ssyncadd.remote.s32 $0x1  }
0xbe: {  	_ =	sfence.sel $0xFFFF  }
0xbf: {  	[dreg:$0x0] =	wrdreg $0xFFFFFFFF;
	(pc) =	sbr.abs _section_cstart, $3  }
0xc0: {  	[dreg:$0x1] =	wrdreg $0xFFFFFFFF  }
0xc1: {  	_ =	task.clear_ibuf [dreg:s6], $0x2FFFF;
	_ =	strace $0x9FFFFFFF  }
0xc2: {  	(tm) =	ssettm $0x7FFFFFFF  }
0xc3: {  	_ =	shalt  }
tec
execute0_lowered:
.L_overlay_start_1:
0x0: {  	(tag) =	ssettag $0x1  }
0x1: {  	s1 =	srdreg.scid;
	s6 =	rddreg [dreg:$0x0]  }
0x2: {  	s0 =	stileid.u32;
	s2 =	rddreg [dreg:$0x1];
	s3 =	simm.s32 $0x0  }
0x3: {  	s13 =	simm.s32 $0x2;
	s14 =	simm.s32 $0x2780;
	s15 =	simm.s32 $0x80  }
0x4: {  	s16 =	simm.s32 $0x4F00;
	s17 =	simm.s32 $0x1;
	s20 =	simm.s32 $0x0  }
0x5: {  	s7 =	sand.u32 $0x1, s1;
	s26 =	sshll.u32 s0, $0x1;
	s1 =	rddreg [dreg:$0x2]  }
0x6: {  	[smem:$0x7FF] =	sst s3;
	s10 =	smul.u32 $0x9E00, s0;
	s11 =	sadd.s32 $0x2A600, s6  }
0x7: {  	s29 =	sshll.u32 s0, $0x6;
	s18 =	sadd.s32 $0x94200, s2;
	p0 =	seq.s32 s0, $0xF  }
0x8: {  	s4 =	sor.u32 s7, s26;
	s9 =	ssub.s32 $0x2, s7;
	s7 =	smul.u32 $0x9C400, s7  }
0x9: {  	_ =	strace $0x80000047;
	s18 =	sshrl.u32 @p0 s18, $0x3;
	s5 =	smul.u32 $0x4F0, s4  }
0xa: {  	s4 =	sadd.s32 $0x1C00, s6;
	s28 =	sshrl.u32 s9, $0x1;
	s19 =	sadd.s32 s10, s2  }
0xb: {  	s12 =	ssub.s32 s9, s28;
	s30 =	sadd.s32 s10, s7;
	s31 =	sshrl.u32 s7, $0x3  }
0xc: {  	s8 =	sadd.s32 s5, s6;
	s5 =	sadd.s32 $0x29200, s6;
	s6 =	sor.u32 $0x1C02, s29  }
0xd: {  	s9 =	sshrl.u32 s30, $0x3;
	s10 =	sadd.s32 s11, s31;
	s7 =	sadd.s32 $0x1F400, s8  }
0xe: {  	s8 =	sadd.s32 $0x15600, s8;
	s9 =	sadd.s32 s11, s9;
	s10 =	sadd.s32 $0x12840, s10  }
0xf: {  	s11 =	smax.u32 s12, $0x1;
	s12 =	sshrl.u32 s19, $0x3;
	s19 =	sshrl.u32 @!p0 s19, $0x3  }
.LBB2_1:
0x10: {  	[spmem:s12], [sflag:s6] =	dma.local [hbm:s5], $0x13C0  }
0x11: {  	_ =	swait.ge [sflag:s13], $0x13C0  }
0x12: {  	[sflag:s13] =	ssyncset.done $0x0  }
0x13: {  	[sflag:s13] =	ssyncadd.s32 $0xFFFFEC40  }
0x14: {  	[tilespmem:s3], [sflag:$0x2] =	stream.linear.gather [hbm4b:s7+s3], $0x2780, $0x38;
	[tilespmem:$0x10D00] =	vst v63  }
0x15: {  	_ =	swait.ge [sflag:s13], $0x2780  }
0x16: {  	[sflag:s13] =	ssyncset.done $0x0  }
0x17: {  	[sflag:s13] =	ssyncadd.s32 $0xFFFFD880  }
0x18: {  	[tilespmem:s14], [sflag:$0x2] =	stream.linear.gather [hbm4b:s8+s3], $0x2780, $0x38;
	[tilespmem:$0x10D00] =	vst v63  }
0x19: {  	_ =	swait.ge [sflag:s13], $0x2780  }
0x1a: {  	[sflag:s13] =	ssyncset.done $0x0  }
0x1b: {  	[sflag:s13] =	ssyncadd.s32 $0xFFFFD880  }
0x1c: {  	s21 =	simm.s32 $0x0;
	[bflag:$0x0] =	sbarrier.arrive $0xFFFF  }
0x1d: {  	[tilespmem:s16], [sflag:$0x1] =	stream.indirect.gather [hbm4b:s4+s15], $0x40, s21, s15, $0xb8;
	[tilespmem:$0x10D00] =	vst v63  }
0x1e: {  	_ =	swait.ge [sflag:s17], $0x2000  }
0x1f: {  	[sflag:s17] =	ssyncset.done $0x0  }
0x20: {  	s31 =	simm.s32 $0x2780;
	[sflag:s17] =	ssyncadd.s32 $0xFFFFE000  }
0x21: {  	[spmem:s2] =	stream.indirect.scatter.add.f32 [tilespmem:s16], [sflag:$0x2], $0x40, s31, s15, $0xb8;
	[tilespmem:$0x10D00] =	vst v63  }
0x22: {  	_ =	swait.ge [sflag:s13], $0x2000  }
0x23: {  	s22 =	simm.s32 $0x400;
	s21 =	simm.s32 $0x200;
	[sflag:s13] =	ssyncset.done $0x0  }
.LBB2_2:
0x24: {  	s23 =	sshra.s32 s21, $0x2  }
0x25: {  	[sflag:s13] =	ssyncadd.s32 $0xFFFFE000;
	s21 =	smov.u32 s22;
	s24 =	sadd.s32 $0x200, s22  }
0x26: {  	[tilespmem:s16], [sflag:$0x1] =	stream.indirect.gather [hbm4b:s4+s15], $0x40, s23, s15, $0xb8;
	[tilespmem:$0x10D00] =	vst v63  }
0x27: {  	p1 =	sne.s32 s22, $0x9C00;
	_ =	swait.ge [sflag:s17], $0x2000  }
.Ltmp0:
0x28: {  	[sflag:s17] =	ssyncset.done $0x0;
	(pc) =	sbr.rel @p1 .LBB2_2-.Ltmp0, $4  }
0x29: {  	s22 =	sadd.s32 $0x2780, s23;
	[sflag:s17] =	ssyncadd.s32 $0xFFFFE000  }
0x2a: {  	[spmem:s2] =	stream.indirect.scatter.add.f32 [tilespmem:s16], [sflag:$0x2], $0x40, s22, s15, $0xb8;
	[tilespmem:$0x10D00] =	vst v63  }
0x2b: {  	_ =	swait.ge [sflag:s13], $0x2000  }
0x2c: {  	s22 =	smov.u32 s24;
	[sflag:s13] =	ssyncset.done $0x0  }
0x2d: {  	s21 =	sshra.s32 s21, $0x2;
	[sflag:s13] =	ssyncadd.s32 $0xFFFFE000  }
0x2e: {  	[tilespmem:s16], [sflag:$0x1] =	stream.indirect.gather [hbm4b:s4+s15], $0x40, s21, s15, $0xb8;
	[tilespmem:$0x10D00] =	vst v63  }
0x2f: {  	_ =	swait.ge [sflag:s17], $0x2000  }
0x30: {  	[sflag:s17] =	ssyncset.done $0x0  }
0x31: {  	s21 =	sadd.s32 $0x2780, s21;
	[sflag:s17] =	ssyncadd.s32 $0xFFFFE000  }
0x32: {  	[spmem:s2] =	stream.indirect.scatter.add.f32 [tilespmem:s16], [sflag:$0x2], $0x40, s21, s15, $0xb8;
	[tilespmem:$0x10D00] =	vst v63  }
0x33: {  	_ =	swait.ge [sflag:s13], $0x2000  }
0x34: {  	[sflag:s13] =	ssyncset.done $0x0  }
0x35: {  	[sflag:s13] =	ssyncadd.s32 $0xFFFFE000  }
0x36: {  	s21 =	simm.s32 @p0 $0x2;
	[bflag:$0x0] =	sbarrier.arrive $0xFFFF  }
0x37: {  	[hbm:s10], [sflag:s6] =	dma.local @p0 [spmem:s18], $0x1040  }
0x38: {  	s20 =	sadd.s32 $0x1, s20;
	_ =	swait.ge @p0 [sflag:s21], $0x1040  }
0x39: {  	p1 =	sne.s32 s20, s11;
	[sflag:s21] =	ssyncset.done @p0 $0x0  }
.Ltmp1:
0x3a: {  	[sflag:s21] =	ssyncadd.s32 @p0 $0xFFFFEFC0;
	s21 =	simm.s32 @!p0 $0x2;
	(pc) =	sbr.rel @p1 .LBB2_1-.Ltmp1, $4  }
0x3b: {  	[hbm:s9], [sflag:s6] =	dma.local @!p0 [spmem:s19], $0x13C0  }
0x3c: {  	_ =	swait.ge @!p0 [sflag:s21], $0x13C0  }
0x3d: {  	[sflag:s21] =	ssyncset.done @!p0 $0x0  }
0x3e: {  	[sflag:s21] =	ssyncadd.s32 @!p0 $0xFFFFEC40  }
0x3f: {  	_ =	sfence.sel $0x180000  }
0x40: {  	[bflag:$0x0] =	sbarrier.arrive $0xFFFF  }
0x41: {  	p0 =	sne.s32 s0, $0x0;
	_ =	strace $0x90000047  }
0x42: {  	s0 =	sadd.s32 @!p0 $0x100000, s1;
	[bflag:$0x2] =	sbarrier.arrive $0xFFFF  }
0x43: {  	[sflag:s0] =	ssyncadd.tile.s32 @!p0 $0x1;
	_ =	shalt  }
.Lfunc_end2:
_tile_overlayer_lowered:
.L_overlay_start_2:
0x44: {  	(tag) =	ssettag $0x2  }
0x45: {  	s0 =	rddreg [dreg:$0x0];
	s2 =	stileid.u32  }
0x46: {  	s1 =	rddreg [dreg:$0x1];
	p0 =	sne.s32 s2, $0x0  }
0x47: {  	s3 =	rddreg [dreg:$0x2];
	[bflag:$0x3] =	sbarrier.arrive $0xFFFF;
	s2 =	simm.s32 @!p0 $0x1C02  }
0x48: {  	[timem:s3], [sflag:s2] =	dma.local @!p0 [hbm:s0], s1  }
0x49: {  	s0 =	simm.s32 @!p0 $0x2  }
0x4a: {  	_ =	swait.ge @!p0 [sflag:s0], s1  }
0x4b: {  	s1 =	ssub.s32 @!p0 $0x0, s1;
	[sflag:s0] =	ssyncset.done @!p0 $0x0  }
0x4c: {  	[sflag:s0] =	ssyncadd.s32 @!p0 s1  }
0x4d: {  	[bflag:$0x3] =	sbarrier.arrive $0xFFFF  }
0x4e: {  	_ =	shalt  }

</sc_bundles>
